<compile_context>
chip_gen: v7x
topology: tpu7x:2x2x1
jax: 0.10.2.dev20260603
libtpu: 0.0.44.dev20260713+nightly
codegen_flags: <defaults>
</compile_context>

<pallas_src>
import jax
import jax.numpy as jnp
from jax.experimental import pallas as pl
from jax.experimental.pallas import tpu as pltpu
from jax.experimental.pallas import tpu_sc as plsc

_BLOCK = (40, 128)
_LANES = 16


def kernel(x, edge_index):
    n, d = x.shape
    mesh = plsc.VectorSubcoreMesh(core_axis_name="core", subcore_axis_name="subcore")

    @pl.kernel(out_type=jax.ShapeDtypeStruct((n, d), x.dtype), mesh=mesh)
    def _sc_double(x_hbm, o_hbm):
        def body(in_spmem, out_spmem):
            @pl.loop(0, _BLOCK[0])
            def _(r):
                @pl.loop(0, _BLOCK[1], step=_LANES)
                def _(c):
                    slc = (pl.ds(r, 1), pl.ds(c, _LANES))
                    v = in_spmem.at[*slc][...]
                    out_spmem.at[*slc][...] = v + v

        pltpu.emit_pipeline(
            body,
            grid=(n // _BLOCK[0], d // _BLOCK[1]),
            in_specs=[pl.BlockSpec(block_shape=_BLOCK, index_map=lambda i, j: (i, j))],
            out_specs=[pl.BlockSpec(block_shape=_BLOCK, index_map=lambda i, j: (i, j))],
            core_axis_name=("core", "subcore"),
            dimension_semantics=(pltpu.PARALLEL, pltpu.PARALLEL),
        )(x_hbm, o_hbm)

    return _sc_double(x)

# --- scband reference (transcript-rebuilt; emitter-appended) ---
"""Pipeline reference for scband-deep-gcnlayer-v2-21500606284197 (READ-ONLY COPY).

The authoritative reference and input builder live on the scoring server;
editing this copy changes nothing except your own understanding.
"""

import jax, jax.numpy as jnp
import numpy as np

N_NODES = 10000
N_EDGES = 320000
D_FEAT = 128

def setup_inputs(seed: int = 0) -> dict:
    key = jax.random.key(seed)
    k1, k2 = jax.random.split(key)
    x = jax.random.normal(k1, (N_NODES, D_FEAT), dtype=jnp.float32)
    edge_index = jax.random.randint(k2, (2, N_EDGES), 0, N_NODES, dtype=jnp.int64 if jax.config.jax_enable_x64 else jnp.int32).astype(jnp.int32)
    return {"x": x, "edge_index": edge_index}

def reference(x, edge_index):
    # DeepGCNLayerV2 with conv=None, norm=None, act=None, block='res+', dropout=0.0
    # h = x
    # norm: None -> skip
    # act: None -> skip
    # dropout p=0.0 -> identity
    # conv: None -> skip (edge_index unused)
    # block in ['res', 'res+'] -> h = x + h
    h = x
    h = x + h
    return h

if __name__ == "__main__":
    import jax
    _d = setup_inputs()
    print(jax.jit(kernel)(*tuple(_d.values())))

</pallas_src>

<mosaic_0001>
#map = affine_map<(d0, d1) -> (0, 0)>
module attributes {stable_mosaic.version = 14 : i64} {
  func.func @_sc_double(%arg0: i32, %arg1: i32, %arg2: memref<10000x128xf32, #tpu.memory_space<hbm>>, %arg3: memref<10000x128xf32, #tpu.memory_space<hbm>>) attributes {dimension_semantics = [#tpu.dimension_semantics<core_parallel>, #tpu.dimension_semantics<subcore_parallel>], iteration_bounds = array<i64: 2, 16>, scalar_prefetch = 0 : i64, scratch_operands = 0 : i64, tpu.core_type = #tpu.core_type<sc_vector_subcore>, window_params = [{transform_indices = #map}, {transform_indices = #map}]} {
    %mul3A = arith.constant 1 : i32
    %mul3A_0 = arith.muli %arg1, %mul3A : i32
    %add3A = arith.constant 0 : i32
    %add3A_1 = arith.addi %add3A, %mul3A_0 : i32
    %mul3A_2 = arith.constant 16 : i32
    %mul3A_3 = arith.muli %arg0, %mul3A_2 : i32
    %add3A_4 = arith.addi %add3A_1, %mul3A_3 : i32
    %lt3A = arith.constant 26 : i32
    %lt3A_5 = arith.cmpi slt, %add3A_4, %lt3A : i32
    %jit3A = arith.constant 8 : i32
    %jit3A_6 = arith.constant 7 : i32
    %select_n3A = arith.select %lt3A_5, %jit3A, %jit3A_6 : i32
    %lt3A_7 = arith.constant 26 : i32
    %lt3A_8 = arith.cmpi slt, %add3A_4, %lt3A_7 : i32
    %mul3A_9 = arith.muli %add3A_4, %select_n3A : i32
    %mul3A_10 = arith.constant 7 : i32
    %mul3A_11 = arith.muli %add3A_4, %mul3A_10 : i32
    %add3A_12 = arith.constant 26 : i32
    %add3A_13 = arith.addi %mul3A_11, %add3A_12 : i32
    %select_n3A_14 = arith.select %lt3A_8, %mul3A_9, %add3A_13 : i32
    %mul3A_15 = arith.constant 1 : i32
    %mul3A_16 = arith.muli %mul3A_15, %select_n3A : i32
    %mul3A_17 = arith.constant 1 : i32
    %mul3A_18 = arith.muli %mul3A_16, %mul3A_17 : i32
    "tpu.region"() ({
      %run_scoped3A = memref.alloca() : memref<2x40x128xf32, #tpu.memory_space<vmem>>
      %run_scoped3A_19 = tpu.sem_alloc : memref<2x!tpu.dma_semaphore, #tpu.memory_space<semaphore_mem>>
      %run_scoped3A_20 = memref.alloca() : memref<2x40x128xf32, #tpu.memory_space<vmem>>
      %run_scoped3A_21 = tpu.sem_alloc : memref<2x!tpu.dma_semaphore, #tpu.memory_space<semaphore_mem>>
      %gt3A = arith.constant 0 : i32
      %gt3A_22 = arith.cmpi sgt, %mul3A_18, %gt3A : i32
      %convert_element_type3A = arith.extui %gt3A_22 : i1 to i32
      %cond3A = arith.constant 0 : i32
      %cond3A_23 = arith.cmpi ne, %convert_element_type3A, %cond3A : i32
      scf.if %cond3A_23 {
        %mul3A_24 = arith.constant 1 : i32
        %mul3A_25 = arith.muli %mul3A_24, %select_n3A : i32
        %mul3A_26 = arith.constant 1 : i32
        %mul3A_27 = arith.muli %mul3A_25, %mul3A_26 : i32
        %sub3A = arith.constant 1 : i32
        %sub3A_28 = arith.subi %mul3A_27, %sub3A : i32
        %eq3A = arith.constant 0 : i32
        %eq3A_29 = arith.cmpi eq, %sub3A_28, %eq3A : i32
        %add3A_30 = arith.constant 0 : i32
        %add3A_31 = arith.addi %add3A_30, %select_n3A_14 : i32
        %select_n3A_32 = arith.constant true
        %select_n3A_33 = arith.constant 0 : i32
        %select_n3A_34 = arith.constant -1 : i32
        %select_n3A_35 = arith.select %select_n3A_32, %select_n3A_34, %select_n3A_33 : i32
        %eq3A_36 = arith.constant -1 : i32
        %eq3A_37 = arith.cmpi eq, %select_n3A_35, %eq3A_36 : i32
        %select_n3A_38 = arith.constant 0 : i32
        %select_n3A_39 = arith.select %eq3A_37, %select_n3A_38, %select_n3A_35 : i32
        %select_n3A_40 = arith.constant 0 : i32
        %select_n3A_41 = arith.constant -1 : i32
        %select_n3A_42 = arith.select %eq3A_37, %select_n3A_41, %select_n3A_40 : i32
        %eq3A_43 = arith.constant -1 : i32
        %eq3A_44 = arith.cmpi eq, %select_n3A_42, %eq3A_43 : i32
        %sub3A_45 = arith.constant 1 : i32
        %sub3A_46 = arith.subi %select_n3A, %sub3A_45 : i32
        %select_n3A_47 = arith.select %eq3A_44, %sub3A_46, %select_n3A_42 : i32
        %add3A_48 = arith.addi %select_n3A_47, %select_n3A_14 : i32
        %select_n3A_49 = arith.constant true
        %select_n3A_50 = arith.constant 0 : i32
        %select_n3A_51 = arith.constant 1 : i32
        %select_n3A_52 = arith.select %select_n3A_49, %select_n3A_51, %select_n3A_50 : i32
        %eq3A_53 = arith.constant 1 : i32
        %eq3A_54 = arith.cmpi eq, %select_n3A_52, %eq3A_53 : i32
        %select_n3A_55 = arith.constant 0 : i32
        %select_n3A_56 = arith.select %eq3A_54, %select_n3A_55, %select_n3A_52 : i32
        %select_n3A_57 = arith.constant 0 : i32
        %select_n3A_58 = arith.constant 1 : i32
        %select_n3A_59 = arith.select %eq3A_54, %select_n3A_58, %select_n3A_57 : i32
        %eq3A_60 = arith.cmpi eq, %select_n3A_59, %select_n3A : i32
        %select_n3A_61 = arith.constant 0 : i32
        %select_n3A_62 = arith.select %eq3A_60, %select_n3A_61, %select_n3A_59 : i32
        %add3A_63 = arith.addi %select_n3A_62, %select_n3A_14 : i32
        %select_n3A_64 = arith.constant true
        %select_n3A_65 = arith.constant 0 : i32
        %select_n3A_66 = arith.constant 1 : i32
        %select_n3A_67 = arith.select %select_n3A_64, %select_n3A_66, %select_n3A_65 : i32
        %eq3A_68 = arith.constant 1 : i32
        %eq3A_69 = arith.cmpi eq, %select_n3A_67, %eq3A_68 : i32
        %select_n3A_70 = arith.constant 0 : i32
        %select_n3A_71 = arith.select %eq3A_69, %select_n3A_70, %select_n3A_67 : i32
        %add3A_72 = arith.constant 1 : i32
        %add3A_73 = arith.addi %select_n3A_62, %add3A_72 : i32
        %select_n3A_74 = arith.select %eq3A_69, %add3A_73, %select_n3A_62 : i32
        %eq3A_75 = arith.cmpi eq, %select_n3A_74, %select_n3A : i32
        %select_n3A_76 = arith.constant 0 : i32
        %select_n3A_77 = arith.select %eq3A_75, %select_n3A_76, %select_n3A_74 : i32
        %add3A_78 = arith.addi %select_n3A_77, %select_n3A_14 : i32
        "tpu.trace_start"() <{level = 10 : i32, message = "ep_initialize_0"}> : () -> ()
        %rem3A = arith.constant 0 : i32
        %rem3A_79 = arith.constant 2 : i32
        %rem3A_80 = arith.remui %rem3A, %rem3A_79 : i32
        %mul3A_81 = arith.constant 40 : i32
        %mul3A_82 = arith.muli %mul3A_81, %add3A_31 : i32
        %dma_start3A = arith.constant 0 : i32
        %dma_start3A_83 = arith.constant 0 : i32
        %dma_start3A_84 = tpu.memref_slice %run_scoped3A[%rem3A_80, %dma_start3A, %dma_start3A_83] : memref<2x40x128xf32, #tpu.memory_space<vmem>> -> memref<1x40x128xf32, #tpu.memory_space<vmem>>
        %dma_start3A_85 = tpu.memref_squeeze %dma_start3A_84 : memref<1x40x128xf32, #tpu.memory_space<vmem>> -> memref<40x128xf32, #tpu.memory_space<vmem>>
        %dma_start3A_86 = arith.constant 0 : i32
        %dma_start3A_87 = tpu.memref_slice %arg2[%mul3A_82, %dma_start3A_86] : memref<10000x128xf32, #tpu.memory_space<hbm>> -> memref<40x128xf32, #tpu.memory_space<hbm>>
        %dma_start3A_88 = tpu.memref_slice %run_scoped3A_19[%rem3A_80] : memref<2x!tpu.dma_semaphore, #tpu.memory_space<semaphore_mem>> -> memref<1x!tpu.dma_semaphore, #tpu.memory_space<semaphore_mem>>
        %dma_start3A_89 = tpu.memref_squeeze %dma_start3A_88 : memref<1x!tpu.dma_semaphore, #tpu.memory_space<semaphore_mem>> -> memref<!tpu.dma_semaphore, #tpu.memory_space<semaphore_mem>>
        %dma_start3A_90 = arith.constant 0 : i32
        %dma_start3A_91 = arith.constant 0 : i32
        %dma_start3A_92 = tpu.memref_slice %run_scoped3A[%rem3A_80, %dma_start3A_90, %dma_start3A_91] : memref<2x40x128xf32, #tpu.memory_space<vmem>> -> memref<1x40x128xf32, #tpu.memory_space<vmem>>
        %dma_start3A_93 = tpu.memref_squeeze %dma_start3A_92 : memref<1x40x128xf32, #tpu.memory_space<vmem>> -> memref<40x128xf32, #tpu.memory_space<vmem>>
        %dma_start3A_94 = arith.constant 0 : i32
        %dma_start3A_95 = tpu.memref_slice %arg2[%mul3A_82, %dma_start3A_94] : memref<10000x128xf32, #tpu.memory_space<hbm>> -> memref<40x128xf32, #tpu.memory_space<hbm>>
        tpu.enqueue_dma source(%dma_start3A_95 : memref<40x128xf32, #tpu.memory_space<hbm>>) target(%dma_start3A_93 : memref<40x128xf32, #tpu.memory_space<vmem>>) target_semaphore(%dma_start3A_89 : memref<!tpu.dma_semaphore, #tpu.memory_space<semaphore_mem>>)
        %add3A_96 = arith.constant 0 : i32
        %add3A_97 = arith.constant 1 : i32
        %add3A_98 = arith.addi %add3A_96, %add3A_97 : i32
        %select_n3A_99 = arith.constant true
        %select_n3A_100 = arith.constant 0 : i32
        %select_n3A_101 = arith.select %select_n3A_99, %add3A_98, %select_n3A_100 : i32
        %while3A = arith.constant 0 : i32
        %while3A_102 = arith.constant 0 : i32
        %while3A_103 = arith.constant 0 : i32
        %while3A_104 = arith.constant 0 : i32
        %while3A_105 = arith.constant 0 : i32
        %while3A_106 = arith.constant 0 : i32
        "tpu.trace_stop"() : () -> ()
        %while3A_107 = arith.subi %mul3A_18, %while3A : i32
        %while3A_108 = arith.addi %while3A, %while3A_107 : i32
        %while3A_109 = arith.constant 1 : i32
        %while3A_110 = arith.divsi %while3A_107, %while3A_109 : i32
        %while3A_111 = arith.muli %while3A_110, %while3A_109 : i32
        %while3A_112 = arith.addi %while3A, %while3A_111 : i32
        %while3A_113 = arith.constant 1 : i32
        %while3A_114:6 = scf.for %while3A_198 = %while3A to %while3A_112 step %while3A_113 iter_args(%while3A_199 = %select_n3A_101, %while3A_200 = %while3A_102, %while3A_201 = %while3A_103, %while3A_202 = %while3A_104, %while3A_203 = %while3A_105, %while3A_204 = %while3A_106) -> (i32, i32, i32, i32, i32, i32)  : i32 {
          %mul3A_205 = arith.constant 1 : i32
          %mul3A_206 = arith.muli %mul3A_205, %select_n3A : i32
          %mul3A_207 = arith.constant 1 : i32
          %mul3A_208 = arith.muli %mul3A_206, %mul3A_207 : i32
          %eq3A_209 = arith.constant 0 : i32
          %eq3A_210 = arith.cmpi eq, %while3A_198, %eq3A_209 : i32
          %sub3A_211 = arith.constant 1 : i32
          %sub3A_212 = arith.subi %mul3A_208, %sub3A_211 : i32
          %eq3A_213 = arith.cmpi eq, %while3A_198, %sub3A_212 : i32
          %add3A_214 = arith.addi %while3A_203, %select_n3A_14 : i32
          %select_n3A_215 = arith.constant true
          %select_n3A_216 = arith.constant 0 : i32
          %select_n3A_217 = arith.constant -1 : i32
          %select_n3A_218 = arith.select %select_n3A_215, %select_n3A_217, %select_n3A_216 : i32
          %eq3A_219 = arith.constant -1 : i32
          %eq3A_220 = arith.cmpi eq, %select_n3A_218, %eq3A_219 : i32
          %select_n3A_221 = arith.constant 0 : i32
          %select_n3A_222 = arith.select %eq3A_220, %select_n3A_221, %select_n3A_218 : i32
          %sub3A_223 = arith.constant 1 : i32
          %sub3A_224 = arith.subi %while3A_203, %sub3A_223 : i32
          %select_n3A_225 = arith.select %eq3A_220, %sub3A_224, %while3A_203 : i32
          %eq3A_226 = arith.constant -1 : i32
          %eq3A_227 = arith.cmpi eq, %select_n3A_225, %eq3A_226 : i32
          %sub3A_228 = arith.constant 1 : i32
          %sub3A_229 = arith.subi %select_n3A, %sub3A_228 : i32
          %select_n3A_230 = arith.select %eq3A_227, %sub3A_229, %select_n3A_225 : i32
          %add3A_231 = arith.addi %select_n3A_230, %select_n3A_14 : i32
          %select_n3A_232 = arith.constant true
          %select_n3A_233 = arith.constant 0 : i32
          %select_n3A_234 = arith.constant 1 : i32
          %select_n3A_235 = arith.select %select_n3A_232, %select_n3A_234, %select_n3A_233 : i32
          %eq3A_236 = arith.constant 1 : i32
          %eq3A_237 = arith.cmpi eq, %select_n3A_235, %eq3A_236 : i32
          %select_n3A_238 = arith.constant 0 : i32
          %select_n3A_239 = arith.select %eq3A_237, %select_n3A_238, %select_n3A_235 : i32
          %add3A_240 = arith.constant 1 : i32
          %add3A_241 = arith.addi %while3A_203, %add3A_240 : i32
          %select_n3A_242 = arith.select %eq3A_237, %add3A_241, %while3A_203 : i32
          %eq3A_243 = arith.cmpi eq, %select_n3A_242, %select_n3A : i32
          %select_n3A_244 = arith.constant 0 : i32
          %select_n3A_245 = arith.select %eq3A_243, %select_n3A_244, %select_n3A_242 : i32
          %add3A_246 = arith.addi %select_n3A_245, %select_n3A_14 : i32
          %select_n3A_247 = arith.constant true
          %select_n3A_248 = arith.constant 0 : i32
          %select_n3A_249 = arith.constant 1 : i32
          %select_n3A_250 = arith.select %select_n3A_247, %select_n3A_249, %select_n3A_248 : i32
          %eq3A_251 = arith.constant 1 : i32
          %eq3A_252 = arith.cmpi eq, %select_n3A_250, %eq3A_251 : i32
          %select_n3A_253 = arith.constant 0 : i32
          %select_n3A_254 = arith.select %eq3A_252, %select_n3A_253, %select_n3A_250 : i32
          %add3A_255 = arith.constant 1 : i32
          %add3A_256 = arith.addi %select_n3A_245, %add3A_255 : i32
          %select_n3A_257 = arith.select %eq3A_252, %add3A_256, %select_n3A_245 : i32
          %eq3A_258 = arith.cmpi eq, %select_n3A_257, %select_n3A : i32
          %select_n3A_259 = arith.constant 0 : i32
          %select_n3A_260 = arith.select %eq3A_258, %select_n3A_259, %select_n3A_257 : i32
          %add3A_261 = arith.addi %select_n3A_260, %select_n3A_14 : i32
          %ne3A = arith.cmpi ne, %add3A_214, %add3A_246 : i32
          %or3A = arith.constant false
          %or3A_262 = arith.ori %or3A, %ne3A : i1
          %or3A_263 = arith.constant false
          %or3A_264 = arith.ori %or3A_262, %or3A_263 : i1
          %sub3A_265 = arith.constant 2 : i32
          %sub3A_266 = arith.subi %mul3A_208, %sub3A_265 : i32
          %add3A_267 = arith.constant 1 : i32
          %add3A_268 = arith.addi %sub3A_266, %add3A_267 : i32
          %ge3A = arith.cmpi sge, %while3A_198, %add3A_268 : i32
          %not3A = arith.constant true
          %not3A_269 = arith.xori %ge3A, %not3A : i1
          %and3A = arith.andi %or3A_264, %not3A_269 : i1
          %convert_element_type3A_270 = arith.extui %and3A : i1 to i32
          %cond3A_271 = arith.constant 0 : i32
          %cond3A_272 = arith.cmpi ne, %convert_element_type3A_270, %cond3A_271 : i32
          scf.if %cond3A_272 {
            "tpu.trace_start"() <{level = 10 : i32, message = "ep_copy_in"}> : () -> ()
            %rem3A_395 = arith.constant 2 : i32
            %rem3A_396 = arith.remui %while3A_199, %rem3A_395 : i32
            %mul3A_397 = arith.constant 40 : i32
            %mul3A_398 = arith.muli %mul3A_397, %add3A_246 : i32
            %dma_start3A_399 = arith.constant 0 : i32
            %dma_start3A_400 = arith.constant 0 : i32
            %dma_start3A_401 = tpu.memref_slice %run_scoped3A[%rem3A_396, %dma_start3A_399, %dma_start3A_400] : memref<2x40x128xf32, #tpu.memory_space<vmem>> -> memref<1x40x128xf32, #tpu.memory_space<vmem>>
            %dma_start3A_402 = tpu.memref_squeeze %dma_start3A_401 : memref<1x40x128xf32, #tpu.memory_space<vmem>> -> memref<40x128xf32, #tpu.memory_space<vmem>>
            %dma_start3A_403 = arith.constant 0 : i32
            %dma_start3A_404 = tpu.memref_slice %arg2[%mul3A_398, %dma_start3A_403] : memref<10000x128xf32, #tpu.memory_space<hbm>> -> memref<40x128xf32, #tpu.memory_space<hbm>>
            %dma_start3A_405 = tpu.memref_slice %run_scoped3A_19[%rem3A_396] : memref<2x!tpu.dma_semaphore, #tpu.memory_space<semaphore_mem>> -> memref<1x!tpu.dma_semaphore, #tpu.memory_space<semaphore_mem>>
            %dma_start3A_406 = tpu.memref_squeeze %dma_start3A_405 : memref<1x!tpu.dma_semaphore, #tpu.memory_space<semaphore_mem>> -> memref<!tpu.dma_semaphore, #tpu.memory_space<semaphore_mem>>
            %dma_start3A_407 = arith.constant 0 : i32
            %dma_start3A_408 = arith.constant 0 : i32
            %dma_start3A_409 = tpu.memref_slice %run_scoped3A[%rem3A_396, %dma_start3A_407, %dma_start3A_408] : memref<2x40x128xf32, #tpu.memory_space<vmem>> -> memref<1x40x128xf32, #tpu.memory_space<vmem>>
            %dma_start3A_410 = tpu.memref_squeeze %dma_start3A_409 : memref<1x40x128xf32, #tpu.memory_space<vmem>> -> memref<40x128xf32, #tpu.memory_space<vmem>>
            %dma_start3A_411 = arith.constant 0 : i32
            %dma_start3A_412 = tpu.memref_slice %arg2[%mul3A_398, %dma_start3A_411] : memref<10000x128xf32, #tpu.memory_space<hbm>> -> memref<40x128xf32, #tpu.memory_space<hbm>>
            tpu.enqueue_dma source(%dma_start3A_412 : memref<40x128xf32, #tpu.memory_space<hbm>>) target(%dma_start3A_410 : memref<40x128xf32, #tpu.memory_space<vmem>>) target_semaphore(%dma_start3A_406 : memref<!tpu.dma_semaphore, #tpu.memory_space<semaphore_mem>>)
            "tpu.trace_stop"() : () -> ()
          } else {
          }
          %and3A_273 = arith.constant true
          %and3A_274 = arith.andi %and3A, %and3A_273 : i1
          %add3A_275 = arith.constant 1 : i32
          %add3A_276 = arith.addi %while3A_199, %add3A_275 : i32
          %select_n3A_277 = arith.select %and3A_274, %add3A_276, %while3A_199 : i32
          %ne3A_278 = arith.cmpi ne, %add3A_214, %add3A_246 : i32
          %or3A_279 = arith.constant false
          %or3A_280 = arith.ori %or3A_279, %ne3A_278 : i1
          %or3A_281 = arith.constant false
          %or3A_282 = arith.ori %or3A_280, %or3A_281 : i1
          %sub3A_283 = arith.constant 2 : i32
          %sub3A_284 = arith.subi %mul3A_208, %sub3A_283 : i32
          %add3A_285 = arith.constant 1 : i32
          %add3A_286 = arith.addi %sub3A_284, %add3A_285 : i32
          %ge3A_287 = arith.cmpi sge, %while3A_198, %add3A_286 : i32
          %not3A_288 = arith.constant true
          %not3A_289 = arith.xori %ge3A_287, %not3A_288 : i1
          %and3A_290 = arith.andi %or3A_282, %not3A_289 : i1
          %ne3A_291 = arith.cmpi ne, %add3A_214, %add3A_231 : i32
          %or3A_292 = arith.constant false
          %or3A_293 = arith.ori %or3A_292, %ne3A_291 : i1
          %or3A_294 = arith.constant false
          %or3A_295 = arith.ori %or3A_293, %or3A_294 : i1
          %or3A_296 = arith.ori %or3A_295, %eq3A_210 : i1
          %convert_element_type3A_297 = arith.extui %or3A_296 : i1 to i32
          %cond3A_298 = arith.constant 0 : i32
          %cond3A_299 = arith.cmpi ne, %convert_element_type3A_297, %cond3A_298 : i32
          scf.if %cond3A_299 {
            "tpu.trace_start"() <{level = 10 : i32, message = "ep_wait_in"}> : () -> ()
            %mul3A_395 = arith.constant 40 : i32
            %mul3A_396 = arith.muli %mul3A_395, %add3A_214 : i32
            %rem3A_397 = arith.constant 2 : i32
            %rem3A_398 = arith.remui %while3A_200, %rem3A_397 : i32
            %dma_wait3A = arith.constant 0 : i32
            %dma_wait3A_399 = arith.constant 0 : i32
            %dma_wait3A_400 = tpu.memref_slice %run_scoped3A[%rem3A_398, %dma_wait3A, %dma_wait3A_399] : memref<2x40x128xf32, #tpu.memory_space<vmem>> -> memref<1x40x128xf32, #tpu.memory_space<vmem>>
            %dma_wait3A_401 = tpu.memref_squeeze %dma_wait3A_400 : memref<1x40x128xf32, #tpu.memory_space<vmem>> -> memref<40x128xf32, #tpu.memory_space<vmem>>
            %dma_wait3A_402 = arith.constant 0 : i32
            %dma_wait3A_403 = tpu.memref_slice %arg2[%mul3A_396, %dma_wait3A_402] : memref<10000x128xf32, #tpu.memory_space<hbm>> -> memref<40x128xf32, #tpu.memory_space<hbm>>
            %dma_wait3A_404 = tpu.memref_slice %run_scoped3A_19[%rem3A_398] : memref<2x!tpu.dma_semaphore, #tpu.memory_space<semaphore_mem>> -> memref<1x!tpu.dma_semaphore, #tpu.memory_space<semaphore_mem>>
            %dma_wait3A_405 = tpu.memref_squeeze %dma_wait3A_404 : memref<1x!tpu.dma_semaphore, #tpu.memory_space<semaphore_mem>> -> memref<!tpu.dma_semaphore, #tpu.memory_space<semaphore_mem>>
            %dma_wait3A_406 = arith.constant 0 : i32
            %dma_wait3A_407 = arith.constant 0 : i32
            %dma_wait3A_408 = tpu.memref_slice %run_scoped3A[%rem3A_398, %dma_wait3A_406, %dma_wait3A_407] : memref<2x40x128xf32, #tpu.memory_space<vmem>> -> memref<1x40x128xf32, #tpu.memory_space<vmem>>
            %dma_wait3A_409 = tpu.memref_squeeze %dma_wait3A_408 : memref<1x40x128xf32, #tpu.memory_space<vmem>> -> memref<40x128xf32, #tpu.memory_space<vmem>>
            %dma_wait3A_410 = arith.constant 0 : i32
            %dma_wait3A_411 = tpu.memref_slice %arg2[%mul3A_396, %dma_wait3A_410] : memref<10000x128xf32, #tpu.memory_space<hbm>> -> memref<40x128xf32, #tpu.memory_space<hbm>>
            tpu.wait_dma2 semaphore(%dma_wait3A_405 : memref<!tpu.dma_semaphore, #tpu.memory_space<semaphore_mem>>) src(%dma_wait3A_411 : memref<40x128xf32, #tpu.memory_space<hbm>>) dst(%dma_wait3A_409 : memref<40x128xf32, #tpu.memory_space<vmem>>)
            "tpu.trace_stop"() : () -> ()
          } else {
          }
          %ne3A_300 = arith.cmpi ne, %add3A_214, %add3A_231 : i32
          %or3A_301 = arith.constant false
          %or3A_302 = arith.ori %or3A_301, %ne3A_300 : i1
          %or3A_303 = arith.constant false
          %or3A_304 = arith.ori %or3A_302, %or3A_303 : i1
          %or3A_305 = arith.ori %or3A_304, %eq3A_210 : i1
          %convert_element_type3A_306 = arith.extui %or3A_305 : i1 to i32
          %cond3A_307 = arith.constant 0 : i32
          %cond3A_308 = arith.cmpi ne, %convert_element_type3A_306, %cond3A_307 : i32
          scf.if %cond3A_308 {
          } else {
          }
          %rem3A_309 = arith.constant 2 : i32
          %rem3A_310 = arith.remui %while3A_200, %rem3A_309 : i32
          %rem3A_311 = arith.constant 2 : i32
          %rem3A_312 = arith.remui %while3A_201, %rem3A_311 : i32
          "tpu.trace_start"() <{level = 10 : i32, message = "ep_run_kernel"}> : () -> ()
          %scan3A = arith.constant 0 : i32
          %scan3A_313 = arith.constant 40 : i32
          %scan3A_314 = arith.addi %scan3A, %scan3A_313 : i32
          %scan3A_315 = arith.constant 1 : i32
          scf.for %scan3A_395 = %scan3A to %scan3A_314 step %scan3A_315  : i32 {
            %mul3A_396 = arith.constant 1 : i32
            %mul3A_397 = arith.muli %scan3A_395, %mul3A_396 : i32
            %add3A_398 = arith.constant 0 : i32
            %add3A_399 = arith.addi %add3A_398, %mul3A_397 : i32
            %scan3A_400 = arith.constant 0 : i32
            %scan3A_401 = arith.constant 8 : i32
            %scan3A_402 = arith.addi %scan3A_400, %scan3A_401 : i32
            %scan3A_403 = arith.constant 1 : i32
            scf.for %scan3A_405 = %scan3A_400 to %scan3A_402 step %scan3A_403  : i32 {
              %mul3A_406 = arith.constant 16 : i32
              %mul3A_407 = arith.muli %scan3A_405, %mul3A_406 : i32
              %add3A_408 = arith.constant 0 : i32
              %add3A_409 = arith.addi %add3A_408, %mul3A_407 : i32
              %get3A = arith.constant 0 : i32
              %get3A_410 = arith.constant 0 : i32
              %get3A_411 = tpu.memref_slice %run_scoped3A[%rem3A_310, %get3A, %get3A_410] : memref<2x40x128xf32, #tpu.memory_space<vmem>> -> memref<1x40x128xf32, #tpu.memory_space<vmem>>
              %get3A_412 = tpu.memref_squeeze %get3A_411 : memref<1x40x128xf32, #tpu.memory_space<vmem>> -> memref<40x128xf32, #tpu.memory_space<vmem>>
              %get3A_413 = arith.index_cast %add3A_399 : i32 to index
              %get3A_414 = arith.index_cast %add3A_409 : i32 to index
              %get3A_415 = tpu.vector_load %get3A_412[%get3A_413, %get3A_414] {strides = array<i32>} : memref<40x128xf32, #tpu.memory_space<vmem>>, vector<1x16xf32>,
              %get3A_416 = vector.shape_cast %get3A_415 : vector<1x16xf32> to vector<1x16xf32>
              %add3A_417 = arith.addf %get3A_416, %get3A_416 : vector<1x16xf32>
              %swap3A = arith.constant 0 : i32
              %swap3A_418 = arith.constant 0 : i32
              %swap3A_419 = tpu.memref_slice %run_scoped3A_20[%rem3A_312, %swap3A, %swap3A_418] : memref<2x40x128xf32, #tpu.memory_space<vmem>> -> memref<1x40x128xf32, #tpu.memory_space<vmem>>
              %swap3A_420 = tpu.memref_squeeze %swap3A_419 : memref<1x40x128xf32, #tpu.memory_space<vmem>> -> memref<40x128xf32, #tpu.memory_space<vmem>>
              %swap3A_421 = arith.index_cast %add3A_399 : i32 to index
              %swap3A_422 = arith.index_cast %add3A_409 : i32 to index
              %swap3A_423 = tpu.vector_load %swap3A_420[%swap3A_421, %swap3A_422] {strides = array<i32>} : memref<40x128xf32, #tpu.memory_space<vmem>>, vector<1x16xf32>,
              %swap3A_424 = vector.shape_cast %swap3A_423 : vector<1x16xf32> to vector<1x16xf32>
              %swap3A_425 = vector.shape_cast %add3A_417 : vector<1x16xf32> to vector<1x16xf32>
              tpu.vector_store %swap3A_420[%swap3A_421, %swap3A_422], %swap3A_425 {strides = array<i32>} : memref<40x128xf32, #tpu.memory_space<vmem>>, vector<1x16xf32>,
            }
            %scan3A_404 = arith.constant 8 : i32
          }
          %scan3A_316 = arith.constant 40 : i32
          "tpu.trace_stop"() : () -> ()
          %ne3A_317 = arith.cmpi ne, %add3A_214, %add3A_246 : i32
          %or3A_318 = arith.constant false
          %or3A_319 = arith.ori %or3A_318, %ne3A_317 : i1
          %or3A_320 = arith.constant false
          %or3A_321 = arith.ori %or3A_319, %or3A_320 : i1
          %or3A_322 = arith.ori %or3A_321, %eq3A_213 : i1
          %convert_element_type3A_323 = arith.extui %or3A_322 : i1 to i32
          %cond3A_324 = arith.constant 0 : i32
          %cond3A_325 = arith.cmpi ne, %convert_element_type3A_323, %cond3A_324 : i32
          scf.if %cond3A_325 {
          } else {
          }
          %and3A_326 = arith.constant false
          %and3A_327 = arith.andi %or3A_322, %and3A_326 : i1
          %ne3A_328 = arith.cmpi ne, %add3A_214, %add3A_246 : i32
          %or3A_329 = arith.constant false
          %or3A_330 = arith.ori %or3A_329, %ne3A_328 : i1
          %or3A_331 = arith.constant false
          %or3A_332 = arith.ori %or3A_330, %or3A_331 : i1
          %or3A_333 = arith.ori %or3A_332, %eq3A_213 : i1
          %convert_element_type3A_334 = arith.extui %or3A_333 : i1 to i32
          %cond3A_335 = arith.constant 0 : i32
          %cond3A_336 = arith.cmpi ne, %convert_element_type3A_334, %cond3A_335 : i32
          scf.if %cond3A_336 {
            "tpu.trace_start"() <{level = 10 : i32, message = "ep_copy_out"}> : () -> ()
            %rem3A_395 = arith.constant 2 : i32
            %rem3A_396 = arith.remui %while3A_201, %rem3A_395 : i32
            %mul3A_397 = arith.constant 40 : i32
            %mul3A_398 = arith.muli %mul3A_397, %add3A_214 : i32
            %dma_start3A_399 = arith.constant 0 : i32
            %dma_start3A_400 = arith.constant 0 : i32
            %dma_start3A_401 = tpu.memref_slice %run_scoped3A_20[%rem3A_396, %dma_start3A_399, %dma_start3A_400] : memref<2x40x128xf32, #tpu.memory_space<vmem>> -> memref<1x40x128xf32, #tpu.memory_space<vmem>>
            %dma_start3A_402 = tpu.memref_squeeze %dma_start3A_401 : memref<1x40x128xf32, #tpu.memory_space<vmem>> -> memref<40x128xf32, #tpu.memory_space<vmem>>
            %dma_start3A_403 = arith.constant 0 : i32
            %dma_start3A_404 = tpu.memref_slice %arg3[%mul3A_398, %dma_start3A_403] : memref<10000x128xf32, #tpu.memory_space<hbm>> -> memref<40x128xf32, #tpu.memory_space<hbm>>
            %dma_start3A_405 = tpu.memref_slice %run_scoped3A_21[%rem3A_396] : memref<2x!tpu.dma_semaphore, #tpu.memory_space<semaphore_mem>> -> memref<1x!tpu.dma_semaphore, #tpu.memory_space<semaphore_mem>>
            %dma_start3A_406 = tpu.memref_squeeze %dma_start3A_405 : memref<1x!tpu.dma_semaphore, #tpu.memory_space<semaphore_mem>> -> memref<!tpu.dma_semaphore, #tpu.memory_space<semaphore_mem>>
            %dma_start3A_407 = arith.constant 0 : i32
            %dma_start3A_408 = tpu.memref_slice %arg3[%mul3A_398, %dma_start3A_407] : memref<10000x128xf32, #tpu.memory_space<hbm>> -> memref<40x128xf32, #tpu.memory_space<hbm>>
            %dma_start3A_409 = arith.constant 0 : i32
            %dma_start3A_410 = arith.constant 0 : i32
            %dma_start3A_411 = tpu.memref_slice %run_scoped3A_20[%rem3A_396, %dma_start3A_409, %dma_start3A_410] : memref<2x40x128xf32, #tpu.memory_space<vmem>> -> memref<1x40x128xf32, #tpu.memory_space<vmem>>
            %dma_start3A_412 = tpu.memref_squeeze %dma_start3A_411 : memref<1x40x128xf32, #tpu.memory_space<vmem>> -> memref<40x128xf32, #tpu.memory_space<vmem>>
            tpu.enqueue_dma source(%dma_start3A_412 : memref<40x128xf32, #tpu.memory_space<vmem>>) target(%dma_start3A_408 : memref<40x128xf32, #tpu.memory_space<hbm>>) target_semaphore(%dma_start3A_406 : memref<!tpu.dma_semaphore, #tpu.memory_space<semaphore_mem>>)
            "tpu.trace_stop"() : () -> ()
          } else {
          }
          %and3A_337 = arith.constant true
          %and3A_338 = arith.andi %or3A_333, %and3A_337 : i1
          %add3A_339 = arith.constant 1 : i32
          %add3A_340 = arith.addi %while3A_201, %add3A_339 : i32
          %select_n3A_341 = arith.select %and3A_338, %add3A_340, %while3A_201 : i32
          %ne3A_342 = arith.cmpi ne, %add3A_214, %add3A_231 : i32
          %or3A_343 = arith.constant false
          %or3A_344 = arith.ori %or3A_343, %ne3A_342 : i1
          %or3A_345 = arith.constant false
          %or3A_346 = arith.ori %or3A_344, %or3A_345 : i1
          %not3A_347 = arith.constant true
          %not3A_348 = arith.xori %eq3A_210, %not3A_347 : i1
          %and3A_349 = arith.andi %or3A_346, %not3A_348 : i1
          %convert_element_type3A_350 = arith.extui %and3A_349 : i1 to i32
          %cond3A_351 = arith.constant 0 : i32
          %cond3A_352 = arith.cmpi ne, %convert_element_type3A_350, %cond3A_351 : i32
          scf.if %cond3A_352 {
          } else {
          }
          %and3A_353 = arith.constant false
          %and3A_354 = arith.andi %and3A_349, %and3A_353 : i1
          %ne3A_355 = arith.cmpi ne, %add3A_214, %add3A_231 : i32
          %or3A_356 = arith.constant false
          %or3A_357 = arith.ori %or3A_356, %ne3A_355 : i1
          %or3A_358 = arith.constant false
          %or3A_359 = arith.ori %or3A_357, %or3A_358 : i1
          %not3A_360 = arith.constant true
          %not3A_361 = arith.xori %eq3A_210, %not3A_360 : i1
          %and3A_362 = arith.andi %or3A_359, %not3A_361 : i1
          %convert_element_type3A_363 = arith.extui %and3A_362 : i1 to i32
          %cond3A_364 = arith.constant 0 : i32
          %cond3A_365 = arith.cmpi ne, %convert_element_type3A_363, %cond3A_364 : i32
          scf.if %cond3A_365 {
            "tpu.trace_start"() <{level = 10 : i32, message = "ep_wait_out"}> : () -> ()
            %rem3A_395 = arith.constant 2 : i32
            %rem3A_396 = arith.remui %while3A_202, %rem3A_395 : i32
            %mul3A_397 = arith.constant 40 : i32
            %mul3A_398 = arith.muli %mul3A_397, %add3A_231 : i32
            %dma_wait3A = arith.constant 0 : i32
            %dma_wait3A_399 = arith.constant 0 : i32
            %dma_wait3A_400 = tpu.memref_slice %run_scoped3A_20[%rem3A_396, %dma_wait3A, %dma_wait3A_399] : memref<2x40x128xf32, #tpu.memory_space<vmem>> -> memref<1x40x128xf32, #tpu.memory_space<vmem>>
            %dma_wait3A_401 = tpu.memref_squeeze %dma_wait3A_400 : memref<1x40x128xf32, #tpu.memory_space<vmem>> -> memref<40x128xf32, #tpu.memory_space<vmem>>
            %dma_wait3A_402 = arith.constant 0 : i32
            %dma_wait3A_403 = tpu.memref_slice %arg3[%mul3A_398, %dma_wait3A_402] : memref<10000x128xf32, #tpu.memory_space<hbm>> -> memref<40x128xf32, #tpu.memory_space<hbm>>
            %dma_wait3A_404 = tpu.memref_slice %run_scoped3A_21[%rem3A_396] : memref<2x!tpu.dma_semaphore, #tpu.memory_space<semaphore_mem>> -> memref<1x!tpu.dma_semaphore, #tpu.memory_space<semaphore_mem>>
            %dma_wait3A_405 = tpu.memref_squeeze %dma_wait3A_404 : memref<1x!tpu.dma_semaphore, #tpu.memory_space<semaphore_mem>> -> memref<!tpu.dma_semaphore, #tpu.memory_space<semaphore_mem>>
            %dma_wait3A_406 = arith.constant 0 : i32
            %dma_wait3A_407 = tpu.memref_slice %arg3[%mul3A_398, %dma_wait3A_406] : memref<10000x128xf32, #tpu.memory_space<hbm>> -> memref<40x128xf32, #tpu.memory_space<hbm>>
            %dma_wait3A_408 = arith.constant 0 : i32
            %dma_wait3A_409 = arith.constant 0 : i32
            %dma_wait3A_410 = tpu.memref_slice %run_scoped3A_20[%rem3A_396, %dma_wait3A_408, %dma_wait3A_409] : memref<2x40x128xf32, #tpu.memory_space<vmem>> -> memref<1x40x128xf32, #tpu.memory_space<vmem>>
            %dma_wait3A_411 = tpu.memref_squeeze %dma_wait3A_410 : memref<1x40x128xf32, #tpu.memory_space<vmem>> -> memref<40x128xf32, #tpu.memory_space<vmem>>
            tpu.wait_dma2 semaphore(%dma_wait3A_405 : memref<!tpu.dma_semaphore, #tpu.memory_space<semaphore_mem>>) src(%dma_wait3A_411 : memref<40x128xf32, #tpu.memory_space<vmem>>) dst(%dma_wait3A_407 : memref<40x128xf32, #tpu.memory_space<hbm>>)
            "tpu.trace_stop"() : () -> ()
          } else {
          }
          %and3A_366 = arith.constant true
          %and3A_367 = arith.andi %and3A_362, %and3A_366 : i1
          %add3A_368 = arith.constant 1 : i32
          %add3A_369 = arith.addi %while3A_202, %add3A_368 : i32
          %select_n3A_370 = arith.select %and3A_367, %add3A_369, %while3A_202 : i32
          %ne3A_371 = arith.cmpi ne, %add3A_214, %add3A_246 : i32
          %or3A_372 = arith.constant false
          %or3A_373 = arith.ori %or3A_372, %ne3A_371 : i1
          %or3A_374 = arith.constant false
          %or3A_375 = arith.ori %or3A_373, %or3A_374 : i1
          %or3A_376 = arith.ori %or3A_375, %eq3A_213 : i1
          %add3A_377 = arith.constant 1 : i32
          %add3A_378 = arith.addi %while3A_200, %add3A_377 : i32
          %select_n3A_379 = arith.select %or3A_376, %add3A_378, %while3A_200 : i32
          %select_n3A_380 = arith.constant true
          %select_n3A_381 = arith.constant 0 : i32
          %select_n3A_382 = arith.constant 1 : i32
          %select_n3A_383 = arith.select %select_n3A_380, %select_n3A_382, %select_n3A_381 : i32
          %eq3A_384 = arith.constant 1 : i32
          %eq3A_385 = arith.cmpi eq, %select_n3A_383, %eq3A_384 : i32
          %select_n3A_386 = arith.constant 0 : i32
          %select_n3A_387 = arith.select %eq3A_385, %select_n3A_386, %select_n3A_383 : i32
          %add3A_388 = arith.constant 1 : i32
          %add3A_389 = arith.addi %while3A_203, %add3A_388 : i32
          %select_n3A_390 = arith.select %eq3A_385, %add3A_389, %while3A_203 : i32
          %eq3A_391 = arith.cmpi eq, %select_n3A_390, %select_n3A : i32
          %select_n3A_392 = arith.constant 0 : i32
          %select_n3A_393 = arith.select %eq3A_391, %select_n3A_392, %select_n3A_390 : i32
          %while3A_394 = arith.constant 0 : i32
          scf.yield %select_n3A_277, %select_n3A_379, %select_n3A_341, %select_n3A_370, %select_n3A_393, %while3A_394 : i32, i32, i32, i32, i32, i32
        }
        %while3A_115 = arith.constant 1 : i32
        %while3A_116:6 = scf.for %while3A_198 = %while3A_112 to %while3A_108 step %while3A_115 iter_args(%while3A_199 = %while3A_114#0, %while3A_200 = %while3A_114#1, %while3A_201 = %while3A_114#2, %while3A_202 = %while3A_114#3, %while3A_203 = %while3A_114#4, %while3A_204 = %while3A_114#5) -> (i32, i32, i32, i32, i32, i32)  : i32 {
          %mul3A_205 = arith.constant 1 : i32
          %mul3A_206 = arith.muli %mul3A_205, %select_n3A : i32
          %mul3A_207 = arith.constant 1 : i32
          %mul3A_208 = arith.muli %mul3A_206, %mul3A_207 : i32
          %eq3A_209 = arith.constant 0 : i32
          %eq3A_210 = arith.cmpi eq, %while3A_198, %eq3A_209 : i32
          %sub3A_211 = arith.constant 1 : i32
          %sub3A_212 = arith.subi %mul3A_208, %sub3A_211 : i32
          %eq3A_213 = arith.cmpi eq, %while3A_198, %sub3A_212 : i32
          %add3A_214 = arith.addi %while3A_203, %select_n3A_14 : i32
          %select_n3A_215 = arith.constant true
          %select_n3A_216 = arith.constant 0 : i32
          %select_n3A_217 = arith.constant -1 : i32
          %select_n3A_218 = arith.select %select_n3A_215, %select_n3A_217, %select_n3A_216 : i32
          %eq3A_219 = arith.constant -1 : i32
          %eq3A_220 = arith.cmpi eq, %select_n3A_218, %eq3A_219 : i32
          %select_n3A_221 = arith.constant 0 : i32
          %select_n3A_222 = arith.select %eq3A_220, %select_n3A_221, %select_n3A_218 : i32
          %sub3A_223 = arith.constant 1 : i32
          %sub3A_224 = arith.subi %while3A_203, %sub3A_223 : i32
          %select_n3A_225 = arith.select %eq3A_220, %sub3A_224, %while3A_203 : i32
          %eq3A_226 = arith.constant -1 : i32
          %eq3A_227 = arith.cmpi eq, %select_n3A_225, %eq3A_226 : i32
          %sub3A_228 = arith.constant 1 : i32
          %sub3A_229 = arith.subi %select_n3A, %sub3A_228 : i32
          %select_n3A_230 = arith.select %eq3A_227, %sub3A_229, %select_n3A_225 : i32
          %add3A_231 = arith.addi %select_n3A_230, %select_n3A_14 : i32
          %select_n3A_232 = arith.constant true
          %select_n3A_233 = arith.constant 0 : i32
          %select_n3A_234 = arith.constant 1 : i32
          %select_n3A_235 = arith.select %select_n3A_232, %select_n3A_234, %select_n3A_233 : i32
          %eq3A_236 = arith.constant 1 : i32
          %eq3A_237 = arith.cmpi eq, %select_n3A_235, %eq3A_236 : i32
          %select_n3A_238 = arith.constant 0 : i32
          %select_n3A_239 = arith.select %eq3A_237, %select_n3A_238, %select_n3A_235 : i32
          %add3A_240 = arith.constant 1 : i32
          %add3A_241 = arith.addi %while3A_203, %add3A_240 : i32
          %select_n3A_242 = arith.select %eq3A_237, %add3A_241, %while3A_203 : i32
          %eq3A_243 = arith.cmpi eq, %select_n3A_242, %select_n3A : i32
          %select_n3A_244 = arith.constant 0 : i32
          %select_n3A_245 = arith.select %eq3A_243, %select_n3A_244, %select_n3A_242 : i32
          %add3A_246 = arith.addi %select_n3A_245, %select_n3A_14 : i32
          %select_n3A_247 = arith.constant true
          %select_n3A_248 = arith.constant 0 : i32
          %select_n3A_249 = arith.constant 1 : i32
          %select_n3A_250 = arith.select %select_n3A_247, %select_n3A_249, %select_n3A_248 : i32
          %eq3A_251 = arith.constant 1 : i32
          %eq3A_252 = arith.cmpi eq, %select_n3A_250, %eq3A_251 : i32
          %select_n3A_253 = arith.constant 0 : i32
          %select_n3A_254 = arith.select %eq3A_252, %select_n3A_253, %select_n3A_250 : i32
          %add3A_255 = arith.constant 1 : i32
          %add3A_256 = arith.addi %select_n3A_245, %add3A_255 : i32
          %select_n3A_257 = arith.select %eq3A_252, %add3A_256, %select_n3A_245 : i32
          %eq3A_258 = arith.cmpi eq, %select_n3A_257, %select_n3A : i32
          %select_n3A_259 = arith.constant 0 : i32
          %select_n3A_260 = arith.select %eq3A_258, %select_n3A_259, %select_n3A_257 : i32
          %add3A_261 = arith.addi %select_n3A_260, %select_n3A_14 : i32
          %ne3A = arith.cmpi ne, %add3A_214, %add3A_246 : i32
          %or3A = arith.constant false
          %or3A_262 = arith.ori %or3A, %ne3A : i1
          %or3A_263 = arith.constant false
          %or3A_264 = arith.ori %or3A_262, %or3A_263 : i1
          %sub3A_265 = arith.constant 2 : i32
          %sub3A_266 = arith.subi %mul3A_208, %sub3A_265 : i32
          %add3A_267 = arith.constant 1 : i32
          %add3A_268 = arith.addi %sub3A_266, %add3A_267 : i32
          %ge3A = arith.cmpi sge, %while3A_198, %add3A_268 : i32
          %not3A = arith.constant true
          %not3A_269 = arith.xori %ge3A, %not3A : i1
          %and3A = arith.andi %or3A_264, %not3A_269 : i1
          %convert_element_type3A_270 = arith.extui %and3A : i1 to i32
          %cond3A_271 = arith.constant 0 : i32
          %cond3A_272 = arith.cmpi ne, %convert_element_type3A_270, %cond3A_271 : i32
          scf.if %cond3A_272 {
            "tpu.trace_start"() <{level = 10 : i32, message = "ep_copy_in"}> : () -> ()
            %rem3A_395 = arith.constant 2 : i32
            %rem3A_396 = arith.remui %while3A_199, %rem3A_395 : i32
            %mul3A_397 = arith.constant 40 : i32
            %mul3A_398 = arith.muli %mul3A_397, %add3A_246 : i32
            %dma_start3A_399 = arith.constant 0 : i32
            %dma_start3A_400 = arith.constant 0 : i32
            %dma_start3A_401 = tpu.memref_slice %run_scoped3A[%rem3A_396, %dma_start3A_399, %dma_start3A_400] : memref<2x40x128xf32, #tpu.memory_space<vmem>> -> memref<1x40x128xf32, #tpu.memory_space<vmem>>
            %dma_start3A_402 = tpu.memref_squeeze %dma_start3A_401 : memref<1x40x128xf32, #tpu.memory_space<vmem>> -> memref<40x128xf32, #tpu.memory_space<vmem>>
            %dma_start3A_403 = arith.constant 0 : i32
            %dma_start3A_404 = tpu.memref_slice %arg2[%mul3A_398, %dma_start3A_403] : memref<10000x128xf32, #tpu.memory_space<hbm>> -> memref<40x128xf32, #tpu.memory_space<hbm>>
            %dma_start3A_405 = tpu.memref_slice %run_scoped3A_19[%rem3A_396] : memref<2x!tpu.dma_semaphore, #tpu.memory_space<semaphore_mem>> -> memref<1x!tpu.dma_semaphore, #tpu.memory_space<semaphore_mem>>
            %dma_start3A_406 = tpu.memref_squeeze %dma_start3A_405 : memref<1x!tpu.dma_semaphore, #tpu.memory_space<semaphore_mem>> -> memref<!tpu.dma_semaphore, #tpu.memory_space<semaphore_mem>>
            %dma_start3A_407 = arith.constant 0 : i32
            %dma_start3A_408 = arith.constant 0 : i32
            %dma_start3A_409 = tpu.memref_slice %run_scoped3A[%rem3A_396, %dma_start3A_407, %dma_start3A_408] : memref<2x40x128xf32, #tpu.memory_space<vmem>> -> memref<1x40x128xf32, #tpu.memory_space<vmem>>
            %dma_start3A_410 = tpu.memref_squeeze %dma_start3A_409 : memref<1x40x128xf32, #tpu.memory_space<vmem>> -> memref<40x128xf32, #tpu.memory_space<vmem>>
            %dma_start3A_411 = arith.constant 0 : i32
            %dma_start3A_412 = tpu.memref_slice %arg2[%mul3A_398, %dma_start3A_411] : memref<10000x128xf32, #tpu.memory_space<hbm>> -> memref<40x128xf32, #tpu.memory_space<hbm>>
            tpu.enqueue_dma source(%dma_start3A_412 : memref<40x128xf32, #tpu.memory_space<hbm>>) target(%dma_start3A_410 : memref<40x128xf32, #tpu.memory_space<vmem>>) target_semaphore(%dma_start3A_406 : memref<!tpu.dma_semaphore, #tpu.memory_space<semaphore_mem>>)
            "tpu.trace_stop"() : () -> ()
          } else {
          }
          %and3A_273 = arith.constant true
          %and3A_274 = arith.andi %and3A, %and3A_273 : i1
          %add3A_275 = arith.constant 1 : i32
          %add3A_276 = arith.addi %while3A_199, %add3A_275 : i32
          %select_n3A_277 = arith.select %and3A_274, %add3A_276, %while3A_199 : i32
          %ne3A_278 = arith.cmpi ne, %add3A_214, %add3A_246 : i32
          %or3A_279 = arith.constant false
          %or3A_280 = arith.ori %or3A_279, %ne3A_278 : i1
          %or3A_281 = arith.constant false
          %or3A_282 = arith.ori %or3A_280, %or3A_281 : i1
          %sub3A_283 = arith.constant 2 : i32
          %sub3A_284 = arith.subi %mul3A_208, %sub3A_283 : i32
          %add3A_285 = arith.constant 1 : i32
          %add3A_286 = arith.addi %sub3A_284, %add3A_285 : i32
          %ge3A_287 = arith.cmpi sge, %while3A_198, %add3A_286 : i32
          %not3A_288 = arith.constant true
          %not3A_289 = arith.xori %ge3A_287, %not3A_288 : i1
          %and3A_290 = arith.andi %or3A_282, %not3A_289 : i1
          %ne3A_291 = arith.cmpi ne, %add3A_214, %add3A_231 : i32
          %or3A_292 = arith.constant false
          %or3A_293 = arith.ori %or3A_292, %ne3A_291 : i1
          %or3A_294 = arith.constant false
          %or3A_295 = arith.ori %or3A_293, %or3A_294 : i1
          %or3A_296 = arith.ori %or3A_295, %eq3A_210 : i1
          %convert_element_type3A_297 = arith.extui %or3A_296 : i1 to i32
          %cond3A_298 = arith.constant 0 : i32
          %cond3A_299 = arith.cmpi ne, %convert_element_type3A_297, %cond3A_298 : i32
          scf.if %cond3A_299 {
            "tpu.trace_start"() <{level = 10 : i32, message = "ep_wait_in"}> : () -> ()
            %mul3A_395 = arith.constant 40 : i32
            %mul3A_396 = arith.muli %mul3A_395, %add3A_214 : i32
            %rem3A_397 = arith.constant 2 : i32
            %rem3A_398 = arith.remui %while3A_200, %rem3A_397 : i32
            %dma_wait3A = arith.constant 0 : i32
            %dma_wait3A_399 = arith.constant 0 : i32
            %dma_wait3A_400 = tpu.memref_slice %run_scoped3A[%rem3A_398, %dma_wait3A, %dma_wait3A_399] : memref<2x40x128xf32, #tpu.memory_space<vmem>> -> memref<1x40x128xf32, #tpu.memory_space<vmem>>
            %dma_wait3A_401 = tpu.memref_squeeze %dma_wait3A_400 : memref<1x40x128xf32, #tpu.memory_space<vmem>> -> memref<40x128xf32, #tpu.memory_space<vmem>>
            %dma_wait3A_402 = arith.constant 0 : i32
            %dma_wait3A_403 = tpu.memref_slice %arg2[%mul3A_396, %dma_wait3A_402] : memref<10000x128xf32, #tpu.memory_space<hbm>> -> memref<40x128xf32, #tpu.memory_space<hbm>>
            %dma_wait3A_404 = tpu.memref_slice %run_scoped3A_19[%rem3A_398] : memref<2x!tpu.dma_semaphore, #tpu.memory_space<semaphore_mem>> -> memref<1x!tpu.dma_semaphore, #tpu.memory_space<semaphore_mem>>
            %dma_wait3A_405 = tpu.memref_squeeze %dma_wait3A_404 : memref<1x!tpu.dma_semaphore, #tpu.memory_space<semaphore_mem>> -> memref<!tpu.dma_semaphore, #tpu.memory_space<semaphore_mem>>
            %dma_wait3A_406 = arith.constant 0 : i32
            %dma_wait3A_407 = arith.constant 0 : i32
            %dma_wait3A_408 = tpu.memref_slice %run_scoped3A[%rem3A_398, %dma_wait3A_406, %dma_wait3A_407] : memref<2x40x128xf32, #tpu.memory_space<vmem>> -> memref<1x40x128xf32, #tpu.memory_space<vmem>>
            %dma_wait3A_409 = tpu.memref_squeeze %dma_wait3A_408 : memref<1x40x128xf32, #tpu.memory_space<vmem>> -> memref<40x128xf32, #tpu.memory_space<vmem>>
            %dma_wait3A_410 = arith.constant 0 : i32
            %dma_wait3A_411 = tpu.memref_slice %arg2[%mul3A_396, %dma_wait3A_410] : memref<10000x128xf32, #tpu.memory_space<hbm>> -> memref<40x128xf32, #tpu.memory_space<hbm>>
            tpu.wait_dma2 semaphore(%dma_wait3A_405 : memref<!tpu.dma_semaphore, #tpu.memory_space<semaphore_mem>>) src(%dma_wait3A_411 : memref<40x128xf32, #tpu.memory_space<hbm>>) dst(%dma_wait3A_409 : memref<40x128xf32, #tpu.memory_space<vmem>>)
            "tpu.trace_stop"() : () -> ()
          } else {
          }
          %ne3A_300 = arith.cmpi ne, %add3A_214, %add3A_231 : i32
          %or3A_301 = arith.constant false
          %or3A_302 = arith.ori %or3A_301, %ne3A_300 : i1
          %or3A_303 = arith.constant false
          %or3A_304 = arith.ori %or3A_302, %or3A_303 : i1
          %or3A_305 = arith.ori %or3A_304, %eq3A_210 : i1
          %convert_element_type3A_306 = arith.extui %or3A_305 : i1 to i32
          %cond3A_307 = arith.constant 0 : i32
          %cond3A_308 = arith.cmpi ne, %convert_element_type3A_306, %cond3A_307 : i32
          scf.if %cond3A_308 {
          } else {
          }
          %rem3A_309 = arith.constant 2 : i32
          %rem3A_310 = arith.remui %while3A_200, %rem3A_309 : i32
          %rem3A_311 = arith.constant 2 : i32
          %rem3A_312 = arith.remui %while3A_201, %rem3A_311 : i32
          "tpu.trace_start"() <{level = 10 : i32, message = "ep_run_kernel"}> : () -> ()
          %scan3A = arith.constant 0 : i32
          %scan3A_313 = arith.constant 40 : i32
          %scan3A_314 = arith.addi %scan3A, %scan3A_313 : i32
          %scan3A_315 = arith.constant 1 : i32
          scf.for %scan3A_395 = %scan3A to %scan3A_314 step %scan3A_315  : i32 {
            %mul3A_396 = arith.constant 1 : i32
            %mul3A_397 = arith.muli %scan3A_395, %mul3A_396 : i32
            %add3A_398 = arith.constant 0 : i32
            %add3A_399 = arith.addi %add3A_398, %mul3A_397 : i32
            %scan3A_400 = arith.constant 0 : i32
            %scan3A_401 = arith.constant 8 : i32
            %scan3A_402 = arith.addi %scan3A_400, %scan3A_401 : i32
            %scan3A_403 = arith.constant 1 : i32
            scf.for %scan3A_405 = %scan3A_400 to %scan3A_402 step %scan3A_403  : i32 {
              %mul3A_406 = arith.constant 16 : i32
              %mul3A_407 = arith.muli %scan3A_405, %mul3A_406 : i32
              %add3A_408 = arith.constant 0 : i32
              %add3A_409 = arith.addi %add3A_408, %mul3A_407 : i32
              %get3A = arith.constant 0 : i32
              %get3A_410 = arith.constant 0 : i32
              %get3A_411 = tpu.memref_slice %run_scoped3A[%rem3A_310, %get3A, %get3A_410] : memref<2x40x128xf32, #tpu.memory_space<vmem>> -> memref<1x40x128xf32, #tpu.memory_space<vmem>>
              %get3A_412 = tpu.memref_squeeze %get3A_411 : memref<1x40x128xf32, #tpu.memory_space<vmem>> -> memref<40x128xf32, #tpu.memory_space<vmem>>
              %get3A_413 = arith.index_cast %add3A_399 : i32 to index
              %get3A_414 = arith.index_cast %add3A_409 : i32 to index
              %get3A_415 = tpu.vector_load %get3A_412[%get3A_413, %get3A_414] {strides = array<i32>} : memref<40x128xf32, #tpu.memory_space<vmem>>, vector<1x16xf32>,
              %get3A_416 = vector.shape_cast %get3A_415 : vector<1x16xf32> to vector<1x16xf32>
              %add3A_417 = arith.addf %get3A_416, %get3A_416 : vector<1x16xf32>
              %swap3A = arith.constant 0 : i32
              %swap3A_418 = arith.constant 0 : i32
              %swap3A_419 = tpu.memref_slice %run_scoped3A_20[%rem3A_312, %swap3A, %swap3A_418] : memref<2x40x128xf32, #tpu.memory_space<vmem>> -> memref<1x40x128xf32, #tpu.memory_space<vmem>>
              %swap3A_420 = tpu.memref_squeeze %swap3A_419 : memref<1x40x128xf32, #tpu.memory_space<vmem>> -> memref<40x128xf32, #tpu.memory_space<vmem>>
              %swap3A_421 = arith.index_cast %add3A_399 : i32 to index
              %swap3A_422 = arith.index_cast %add3A_409 : i32 to index
              %swap3A_423 = tpu.vector_load %swap3A_420[%swap3A_421, %swap3A_422] {strides = array<i32>} : memref<40x128xf32, #tpu.memory_space<vmem>>, vector<1x16xf32>,
              %swap3A_424 = vector.shape_cast %swap3A_423 : vector<1x16xf32> to vector<1x16xf32>
              %swap3A_425 = vector.shape_cast %add3A_417 : vector<1x16xf32> to vector<1x16xf32>
              tpu.vector_store %swap3A_420[%swap3A_421, %swap3A_422], %swap3A_425 {strides = array<i32>} : memref<40x128xf32, #tpu.memory_space<vmem>>, vector<1x16xf32>,
            }
            %scan3A_404 = arith.constant 8 : i32
          }
          %scan3A_316 = arith.constant 40 : i32
          "tpu.trace_stop"() : () -> ()
          %ne3A_317 = arith.cmpi ne, %add3A_214, %add3A_246 : i32
          %or3A_318 = arith.constant false
          %or3A_319 = arith.ori %or3A_318, %ne3A_317 : i1
          %or3A_320 = arith.constant false
          %or3A_321 = arith.ori %or3A_319, %or3A_320 : i1
          %or3A_322 = arith.ori %or3A_321, %eq3A_213 : i1
          %convert_element_type3A_323 = arith.extui %or3A_322 : i1 to i32
          %cond3A_324 = arith.constant 0 : i32
          %cond3A_325 = arith.cmpi ne, %convert_element_type3A_323, %cond3A_324 : i32
          scf.if %cond3A_325 {
          } else {
          }
          %and3A_326 = arith.constant false
          %and3A_327 = arith.andi %or3A_322, %and3A_326 : i1
          %ne3A_328 = arith.cmpi ne, %add3A_214, %add3A_246 : i32
          %or3A_329 = arith.constant false
          %or3A_330 = arith.ori %or3A_329, %ne3A_328 : i1
          %or3A_331 = arith.constant false
          %or3A_332 = arith.ori %or3A_330, %or3A_331 : i1
          %or3A_333 = arith.ori %or3A_332, %eq3A_213 : i1
          %convert_element_type3A_334 = arith.extui %or3A_333 : i1 to i32
          %cond3A_335 = arith.constant 0 : i32
          %cond3A_336 = arith.cmpi ne, %convert_element_type3A_334, %cond3A_335 : i32
          scf.if %cond3A_336 {
            "tpu.trace_start"() <{level = 10 : i32, message = "ep_copy_out"}> : () -> ()
            %rem3A_395 = arith.constant 2 : i32
            %rem3A_396 = arith.remui %while3A_201, %rem3A_395 : i32
            %mul3A_397 = arith.constant 40 : i32
            %mul3A_398 = arith.muli %mul3A_397, %add3A_214 : i32
            %dma_start3A_399 = arith.constant 0 : i32
            %dma_start3A_400 = arith.constant 0 : i32
            %dma_start3A_401 = tpu.memref_slice %run_scoped3A_20[%rem3A_396, %dma_start3A_399, %dma_start3A_400] : memref<2x40x128xf32, #tpu.memory_space<vmem>> -> memref<1x40x128xf32, #tpu.memory_space<vmem>>
            %dma_start3A_402 = tpu.memref_squeeze %dma_start3A_401 : memref<1x40x128xf32, #tpu.memory_space<vmem>> -> memref<40x128xf32, #tpu.memory_space<vmem>>
            %dma_start3A_403 = arith.constant 0 : i32
            %dma_start3A_404 = tpu.memref_slice %arg3[%mul3A_398, %dma_start3A_403] : memref<10000x128xf32, #tpu.memory_space<hbm>> -> memref<40x128xf32, #tpu.memory_space<hbm>>
            %dma_start3A_405 = tpu.memref_slice %run_scoped3A_21[%rem3A_396] : memref<2x!tpu.dma_semaphore, #tpu.memory_space<semaphore_mem>> -> memref<1x!tpu.dma_semaphore, #tpu.memory_space<semaphore_mem>>
            %dma_start3A_406 = tpu.memref_squeeze %dma_start3A_405 : memref<1x!tpu.dma_semaphore, #tpu.memory_space<semaphore_mem>> -> memref<!tpu.dma_semaphore, #tpu.memory_space<semaphore_mem>>
            %dma_start3A_407 = arith.constant 0 : i32
            %dma_start3A_408 = tpu.memref_slice %arg3[%mul3A_398, %dma_start3A_407] : memref<10000x128xf32, #tpu.memory_space<hbm>> -> memref<40x128xf32, #tpu.memory_space<hbm>>
            %dma_start3A_409 = arith.constant 0 : i32
            %dma_start3A_410 = arith.constant 0 : i32
            %dma_start3A_411 = tpu.memref_slice %run_scoped3A_20[%rem3A_396, %dma_start3A_409, %dma_start3A_410] : memref<2x40x128xf32, #tpu.memory_space<vmem>> -> memref<1x40x128xf32, #tpu.memory_space<vmem>>
            %dma_start3A_412 = tpu.memref_squeeze %dma_start3A_411 : memref<1x40x128xf32, #tpu.memory_space<vmem>> -> memref<40x128xf32, #tpu.memory_space<vmem>>
            tpu.enqueue_dma source(%dma_start3A_412 : memref<40x128xf32, #tpu.memory_space<vmem>>) target(%dma_start3A_408 : memref<40x128xf32, #tpu.memory_space<hbm>>) target_semaphore(%dma_start3A_406 : memref<!tpu.dma_semaphore, #tpu.memory_space<semaphore_mem>>)
            "tpu.trace_stop"() : () -> ()
          } else {
          }
          %and3A_337 = arith.constant true
          %and3A_338 = arith.andi %or3A_333, %and3A_337 : i1
          %add3A_339 = arith.constant 1 : i32
          %add3A_340 = arith.addi %while3A_201, %add3A_339 : i32
          %select_n3A_341 = arith.select %and3A_338, %add3A_340, %while3A_201 : i32
          %ne3A_342 = arith.cmpi ne, %add3A_214, %add3A_231 : i32
          %or3A_343 = arith.constant false
          %or3A_344 = arith.ori %or3A_343, %ne3A_342 : i1
          %or3A_345 = arith.constant false
          %or3A_346 = arith.ori %or3A_344, %or3A_345 : i1
          %not3A_347 = arith.constant true
          %not3A_348 = arith.xori %eq3A_210, %not3A_347 : i1
          %and3A_349 = arith.andi %or3A_346, %not3A_348 : i1
          %convert_element_type3A_350 = arith.extui %and3A_349 : i1 to i32
          %cond3A_351 = arith.constant 0 : i32
          %cond3A_352 = arith.cmpi ne, %convert_element_type3A_350, %cond3A_351 : i32
          scf.if %cond3A_352 {
          } else {
          }
          %and3A_353 = arith.constant false
          %and3A_354 = arith.andi %and3A_349, %and3A_353 : i1
          %ne3A_355 = arith.cmpi ne, %add3A_214, %add3A_231 : i32
          %or3A_356 = arith.constant false
          %or3A_357 = arith.ori %or3A_356, %ne3A_355 : i1
          %or3A_358 = arith.constant false
          %or3A_359 = arith.ori %or3A_357, %or3A_358 : i1
          %not3A_360 = arith.constant true
          %not3A_361 = arith.xori %eq3A_210, %not3A_360 : i1
          %and3A_362 = arith.andi %or3A_359, %not3A_361 : i1
          %convert_element_type3A_363 = arith.extui %and3A_362 : i1 to i32
          %cond3A_364 = arith.constant 0 : i32
          %cond3A_365 = arith.cmpi ne, %convert_element_type3A_363, %cond3A_364 : i32
          scf.if %cond3A_365 {
            "tpu.trace_start"() <{level = 10 : i32, message = "ep_wait_out"}> : () -> ()
            %rem3A_395 = arith.constant 2 : i32
            %rem3A_396 = arith.remui %while3A_202, %rem3A_395 : i32
            %mul3A_397 = arith.constant 40 : i32
            %mul3A_398 = arith.muli %mul3A_397, %add3A_231 : i32
            %dma_wait3A = arith.constant 0 : i32
            %dma_wait3A_399 = arith.constant 0 : i32
            %dma_wait3A_400 = tpu.memref_slice %run_scoped3A_20[%rem3A_396, %dma_wait3A, %dma_wait3A_399] : memref<2x40x128xf32, #tpu.memory_space<vmem>> -> memref<1x40x128xf32, #tpu.memory_space<vmem>>
            %dma_wait3A_401 = tpu.memref_squeeze %dma_wait3A_400 : memref<1x40x128xf32, #tpu.memory_space<vmem>> -> memref<40x128xf32, #tpu.memory_space<vmem>>
            %dma_wait3A_402 = arith.constant 0 : i32
            %dma_wait3A_403 = tpu.memref_slice %arg3[%mul3A_398, %dma_wait3A_402] : memref<10000x128xf32, #tpu.memory_space<hbm>> -> memref<40x128xf32, #tpu.memory_space<hbm>>
            %dma_wait3A_404 = tpu.memref_slice %run_scoped3A_21[%rem3A_396] : memref<2x!tpu.dma_semaphore, #tpu.memory_space<semaphore_mem>> -> memref<1x!tpu.dma_semaphore, #tpu.memory_space<semaphore_mem>>
            %dma_wait3A_405 = tpu.memref_squeeze %dma_wait3A_404 : memref<1x!tpu.dma_semaphore, #tpu.memory_space<semaphore_mem>> -> memref<!tpu.dma_semaphore, #tpu.memory_space<semaphore_mem>>
            %dma_wait3A_406 = arith.constant 0 : i32
            %dma_wait3A_407 = tpu.memref_slice %arg3[%mul3A_398, %dma_wait3A_406] : memref<10000x128xf32, #tpu.memory_space<hbm>> -> memref<40x128xf32, #tpu.memory_space<hbm>>
            %dma_wait3A_408 = arith.constant 0 : i32
            %dma_wait3A_409 = arith.constant 0 : i32
            %dma_wait3A_410 = tpu.memref_slice %run_scoped3A_20[%rem3A_396, %dma_wait3A_408, %dma_wait3A_409] : memref<2x40x128xf32, #tpu.memory_space<vmem>> -> memref<1x40x128xf32, #tpu.memory_space<vmem>>
            %dma_wait3A_411 = tpu.memref_squeeze %dma_wait3A_410 : memref<1x40x128xf32, #tpu.memory_space<vmem>> -> memref<40x128xf32, #tpu.memory_space<vmem>>
            tpu.wait_dma2 semaphore(%dma_wait3A_405 : memref<!tpu.dma_semaphore, #tpu.memory_space<semaphore_mem>>) src(%dma_wait3A_411 : memref<40x128xf32, #tpu.memory_space<vmem>>) dst(%dma_wait3A_407 : memref<40x128xf32, #tpu.memory_space<hbm>>)
            "tpu.trace_stop"() : () -> ()
          } else {
          }
          %and3A_366 = arith.constant true
          %and3A_367 = arith.andi %and3A_362, %and3A_366 : i1
          %add3A_368 = arith.constant 1 : i32
          %add3A_369 = arith.addi %while3A_202, %add3A_368 : i32
          %select_n3A_370 = arith.select %and3A_367, %add3A_369, %while3A_202 : i32
          %ne3A_371 = arith.cmpi ne, %add3A_214, %add3A_246 : i32
          %or3A_372 = arith.constant false
          %or3A_373 = arith.ori %or3A_372, %ne3A_371 : i1
          %or3A_374 = arith.constant false
          %or3A_375 = arith.ori %or3A_373, %or3A_374 : i1
          %or3A_376 = arith.ori %or3A_375, %eq3A_213 : i1
          %add3A_377 = arith.constant 1 : i32
          %add3A_378 = arith.addi %while3A_200, %add3A_377 : i32
          %select_n3A_379 = arith.select %or3A_376, %add3A_378, %while3A_200 : i32
          %select_n3A_380 = arith.constant true
          %select_n3A_381 = arith.constant 0 : i32
          %select_n3A_382 = arith.constant 1 : i32
          %select_n3A_383 = arith.select %select_n3A_380, %select_n3A_382, %select_n3A_381 : i32
          %eq3A_384 = arith.constant 1 : i32
          %eq3A_385 = arith.cmpi eq, %select_n3A_383, %eq3A_384 : i32
          %select_n3A_386 = arith.constant 0 : i32
          %select_n3A_387 = arith.select %eq3A_385, %select_n3A_386, %select_n3A_383 : i32
          %add3A_388 = arith.constant 1 : i32
          %add3A_389 = arith.addi %while3A_203, %add3A_388 : i32
          %select_n3A_390 = arith.select %eq3A_385, %add3A_389, %while3A_203 : i32
          %eq3A_391 = arith.cmpi eq, %select_n3A_390, %select_n3A : i32
          %select_n3A_392 = arith.constant 0 : i32
          %select_n3A_393 = arith.select %eq3A_391, %select_n3A_392, %select_n3A_390 : i32
          %while3A_394 = arith.constant 0 : i32
          scf.yield %select_n3A_277, %select_n3A_379, %select_n3A_341, %select_n3A_370, %select_n3A_393, %while3A_394 : i32, i32, i32, i32, i32, i32
        }
        %sub3A_117 = arith.constant 1 : i32
        %sub3A_118 = arith.subi %while3A_116#5, %sub3A_117 : i32
        %select_n3A_119 = arith.constant true
        %select_n3A_120 = arith.select %select_n3A_119, %sub3A_118, %while3A_116#5 : i32
        %eq3A_121 = arith.constant -1 : i32
        %eq3A_122 = arith.cmpi eq, %select_n3A_120, %eq3A_121 : i32
        %select_n3A_123 = arith.constant 0 : i32
        %select_n3A_124 = arith.select %eq3A_122, %select_n3A_123, %select_n3A_120 : i32
        %sub3A_125 = arith.constant 1 : i32
        %sub3A_126 = arith.subi %while3A_116#4, %sub3A_125 : i32
        %select_n3A_127 = arith.select %eq3A_122, %sub3A_126, %while3A_116#4 : i32
        %eq3A_128 = arith.constant -1 : i32
        %eq3A_129 = arith.cmpi eq, %select_n3A_127, %eq3A_128 : i32
        %sub3A_130 = arith.constant 1 : i32
        %sub3A_131 = arith.subi %select_n3A, %sub3A_130 : i32
        %select_n3A_132 = arith.select %eq3A_129, %sub3A_131, %select_n3A_127 : i32
        %sub3A_133 = arith.constant 1 : i32
        %sub3A_134 = arith.subi %mul3A_18, %sub3A_133 : i32
        %mul3A_135 = arith.constant 1 : i32
        %mul3A_136 = arith.muli %mul3A_135, %select_n3A : i32
        %mul3A_137 = arith.constant 1 : i32
        %mul3A_138 = arith.muli %mul3A_136, %mul3A_137 : i32
        %eq3A_139 = arith.constant 0 : i32
        %eq3A_140 = arith.cmpi eq, %sub3A_134, %eq3A_139 : i32
        %sub3A_141 = arith.constant 1 : i32
        %sub3A_142 = arith.subi %mul3A_138, %sub3A_141 : i32
        %eq3A_143 = arith.cmpi eq, %sub3A_134, %sub3A_142 : i32
        %add3A_144 = arith.addi %select_n3A_132, %select_n3A_14 : i32
        %select_n3A_145 = arith.constant true
        %select_n3A_146 = arith.constant 0 : i32
        %select_n3A_147 = arith.constant -1 : i32
        %select_n3A_148 = arith.select %select_n3A_145, %select_n3A_147, %select_n3A_146 : i32
        %eq3A_149 = arith.constant -1 : i32
        %eq3A_150 = arith.cmpi eq, %select_n3A_148, %eq3A_149 : i32
        %select_n3A_151 = arith.constant 0 : i32
        %select_n3A_152 = arith.select %eq3A_150, %select_n3A_151, %select_n3A_148 : i32
        %sub3A_153 = arith.constant 1 : i32
        %sub3A_154 = arith.subi %select_n3A_132, %sub3A_153 : i32
        %select_n3A_155 = arith.select %eq3A_150, %sub3A_154, %select_n3A_132 : i32
        %eq3A_156 = arith.constant -1 : i32
        %eq3A_157 = arith.cmpi eq, %select_n3A_155, %eq3A_156 : i32
        %sub3A_158 = arith.constant 1 : i32
        %sub3A_159 = arith.subi %select_n3A, %sub3A_158 : i32
        %select_n3A_160 = arith.select %eq3A_157, %sub3A_159, %select_n3A_155 : i32
        %add3A_161 = arith.addi %select_n3A_160, %select_n3A_14 : i32
        %select_n3A_162 = arith.constant true
        %select_n3A_163 = arith.constant 0 : i32
        %select_n3A_164 = arith.constant 1 : i32
        %select_n3A_165 = arith.select %select_n3A_162, %select_n3A_164, %select_n3A_163 : i32
        %eq3A_166 = arith.constant 1 : i32
        %eq3A_167 = arith.cmpi eq, %select_n3A_165, %eq3A_166 : i32
        %select_n3A_168 = arith.constant 0 : i32
        %select_n3A_169 = arith.select %eq3A_167, %select_n3A_168, %select_n3A_165 : i32
        %add3A_170 = arith.constant 1 : i32
        %add3A_171 = arith.addi %select_n3A_132, %add3A_170 : i32
        %select_n3A_172 = arith.select %eq3A_167, %add3A_171, %select_n3A_132 : i32
        %eq3A_173 = arith.cmpi eq, %select_n3A_172, %select_n3A : i32
        %select_n3A_174 = arith.constant 0 : i32
        %select_n3A_175 = arith.select %eq3A_173, %select_n3A_174, %select_n3A_172 : i32
        %add3A_176 = arith.addi %select_n3A_175, %select_n3A_14 : i32
        %select_n3A_177 = arith.constant true
        %select_n3A_178 = arith.constant 0 : i32
        %select_n3A_179 = arith.constant 1 : i32
        %select_n3A_180 = arith.select %select_n3A_177, %select_n3A_179, %select_n3A_178 : i32
        %eq3A_181 = arith.constant 1 : i32
        %eq3A_182 = arith.cmpi eq, %select_n3A_180, %eq3A_181 : i32
        %select_n3A_183 = arith.constant 0 : i32
        %select_n3A_184 = arith.select %eq3A_182, %select_n3A_183, %select_n3A_180 : i32
        %add3A_185 = arith.constant 1 : i32
        %add3A_186 = arith.addi %select_n3A_175, %add3A_185 : i32
        %select_n3A_187 = arith.select %eq3A_182, %add3A_186, %select_n3A_175 : i32
        %eq3A_188 = arith.cmpi eq, %select_n3A_187, %select_n3A : i32
        %select_n3A_189 = arith.constant 0 : i32
        %select_n3A_190 = arith.select %eq3A_188, %select_n3A_189, %select_n3A_187 : i32
        %add3A_191 = arith.addi %select_n3A_190, %select_n3A_14 : i32
        %convert_element_type3A_192 = arith.extui %eq3A_143 : i1 to i32
        %cond3A_193 = arith.constant 0 : i32
        %cond3A_194 = arith.cmpi ne, %convert_element_type3A_192, %cond3A_193 : i32
        scf.if %cond3A_194 {
        } else {
        }
        %convert_element_type3A_195 = arith.extui %eq3A_143 : i1 to i32
        %cond3A_196 = arith.constant 0 : i32
        %cond3A_197 = arith.cmpi ne, %convert_element_type3A_195, %cond3A_196 : i32
        scf.if %cond3A_197 {
          "tpu.trace_start"() <{level = 10 : i32, message = "ep_finalize"}> : () -> ()
          %rem3A_198 = arith.constant 2 : i32
          %rem3A_199 = arith.remui %while3A_116#3, %rem3A_198 : i32
          %mul3A_200 = arith.constant 40 : i32
          %mul3A_201 = arith.muli %mul3A_200, %add3A_144 : i32
          %dma_wait3A = arith.constant 0 : i32
          %dma_wait3A_202 = arith.constant 0 : i32
          %dma_wait3A_203 = tpu.memref_slice %run_scoped3A_20[%rem3A_199, %dma_wait3A, %dma_wait3A_202] : memref<2x40x128xf32, #tpu.memory_space<vmem>> -> memref<1x40x128xf32, #tpu.memory_space<vmem>>
          %dma_wait3A_204 = tpu.memref_squeeze %dma_wait3A_203 : memref<1x40x128xf32, #tpu.memory_space<vmem>> -> memref<40x128xf32, #tpu.memory_space<vmem>>
          %dma_wait3A_205 = arith.constant 0 : i32
          %dma_wait3A_206 = tpu.memref_slice %arg3[%mul3A_201, %dma_wait3A_205] : memref<10000x128xf32, #tpu.memory_space<hbm>> -> memref<40x128xf32, #tpu.memory_space<hbm>>
          %dma_wait3A_207 = tpu.memref_slice %run_scoped3A_21[%rem3A_199] : memref<2x!tpu.dma_semaphore, #tpu.memory_space<semaphore_mem>> -> memref<1x!tpu.dma_semaphore, #tpu.memory_space<semaphore_mem>>
          %dma_wait3A_208 = tpu.memref_squeeze %dma_wait3A_207 : memref<1x!tpu.dma_semaphore, #tpu.memory_space<semaphore_mem>> -> memref<!tpu.dma_semaphore, #tpu.memory_space<semaphore_mem>>
          %dma_wait3A_209 = arith.constant 0 : i32
          %dma_wait3A_210 = tpu.memref_slice %arg3[%mul3A_201, %dma_wait3A_209] : memref<10000x128xf32, #tpu.memory_space<hbm>> -> memref<40x128xf32, #tpu.memory_space<hbm>>
          %dma_wait3A_211 = arith.constant 0 : i32
          %dma_wait3A_212 = arith.constant 0 : i32
          %dma_wait3A_213 = tpu.memref_slice %run_scoped3A_20[%rem3A_199, %dma_wait3A_211, %dma_wait3A_212] : memref<2x40x128xf32, #tpu.memory_space<vmem>> -> memref<1x40x128xf32, #tpu.memory_space<vmem>>
          %dma_wait3A_214 = tpu.memref_squeeze %dma_wait3A_213 : memref<1x40x128xf32, #tpu.memory_space<vmem>> -> memref<40x128xf32, #tpu.memory_space<vmem>>
          tpu.wait_dma2 semaphore(%dma_wait3A_208 : memref<!tpu.dma_semaphore, #tpu.memory_space<semaphore_mem>>) src(%dma_wait3A_214 : memref<40x128xf32, #tpu.memory_space<vmem>>) dst(%dma_wait3A_210 : memref<40x128xf32, #tpu.memory_space<hbm>>)
          "tpu.trace_stop"() : () -> ()
        } else {
        }
      } else {
      }
      tpu.yield
    }) : () -> ()
    return
  }
}

</mosaic_0001>

<sc_bundles>
// kernel: kernel.3.cloned.1.call-start
scs
__scs_entry_jumppad:
0x0: {  	(pc) =	sbr.rel $0x88, $3  }
0x1: {  	(tag) =	ssettag $0x0;
	lr =	simm.s32 $0x1  }
0x2: {  	[smem:$0x3FA0] =	sst lr;
	_ =	strace $0xD0000000  }
0x3: {  	_ = 	snop  }
0x4: {  	_ = 	snop  }
0x5: {  	_ = 	snop  }
0x6: {  	_ = 	snop  }
0x7: {  	_ = 	snop  }
__scs_overlays_trampoline_lowered:
0x8: {  	[smem:$0x3FAF] =	sst s0  }
0x9: {  	[smem:$0x3FB0] =	sst s1  }
0xa: {  	[smem:$0x3FB1] =	sst s2  }
0xb: {  	[smem:$0x3FB2] =	sst s3  }
0xc: {  	[smem:$0x3FB3] =	sst s4  }
0xd: {  	[smem:$0x3FB4] =	sst s5  }
0xe: {  	[smem:$0x3FB5] =	sst s6  }
0xf: {  	[smem:$0x3FB6] =	sst s7  }
0x10: {  	[smem:$0x3FB7] =	sst s8  }
0x11: {  	[smem:$0x3FB8] =	sst s9;
	s0 =	simm.s32 @!p0 $0x0  }
0x12: {  	s1 =	sld [smem:$0x3F9E];
	s0 =	simm.s32 @p0 $0x1  }
0x13: {  	[smem:$0x3FB9] =	sst s0;
	s0 =	simm.s32 @!p1 $0x0  }
0x14: {  	s2 =	sld [smem:$0x3F9D];
	s0 =	simm.s32 @p1 $0x1  }
0x15: {  	[smem:$0x3FBA] =	sst s0;
	s0 =	simm.s32 @!p2 $0x0  }
0x16: {  	s3 =	sld [smem:$0x3FDB];
	s0 =	simm.s32 @p2 $0x1  }
0x17: {  	s4 =	simm.s32 $0x1BF5;
	[smem:$0x3FBC] =	sst s0  }
0x18: {  	s0 =	sld [smem:$0x3F9F];
	_ =	swait.ge [sflag:s4], $0x0  }
0x19: {  	s7 =	sld [smem:$0x3FA0]  }
0x1a: {  	s8 =	sadd.s32 $0xFFFFE003, lr  }
0x1b: {  	s9 =	sadd.s32 $0xFFFFFEF7, lr;
	s5 =	simm.s32 $0xFFFFFFFF;
	p2 =	slt.u32 s8, $0xFFFFF086  }
0x1c: {  	p1 =	slt.u32 s9, $0xF7A;
	s5 =	simm.s32 @!p2 $0x0  }
0x1d: {  	s5 =	simm.s32 @p1 $0x1;
	p0 =	seq.s32 s7, s2  }
0x1e: {  	s7 =	smul.u32 @!p0 $0xF7A, s2;
	p2 =	seq.s32 @!p0 s5, $0x0  }
0x1f: {  	s9 =	smul.u32 $0xF7A, s1;
	s8 =	simm.s32 @!p0 $0x1BF5;
	p2 =	por !p2, p0  }
0x20: {  	[sflag:s8] =	ssyncset.s32 @!p0 $0xFFFFF086;
	s6 =	sadd.s32 @!p0 s3, s7;
	s7 =	simm.s32 @!p0 $0x108  }
0x21: {  	s3 =	sadd.s32 s3, s9;
	s6 =	sadd.s32 @!p0 $0x88, s6;
	s7 =	simm.s32 @p2 $0x1082  }
0x22: {  	[simem:s7], [sflag:s8] =	dma.local @!p0 [hbm:s6], $0xF7A  }
0x23: {  	s9 =	sor.u32 $0xD0000000, s2;
	s6 =	simm.s32 $0x108;
	_ =	swait.ge @!p0 [sflag:s8], $0x0  }
0x24: {  	s3 =	sadd.s32 $0x88, s3;
	s6 =	simm.s32 @!p1 $0x1082;
	[sflag:s4] =	ssyncset.s32 $0xFFFFF086  }
0x25: {  	[simem:s6], [sflag:s4] =	dma.local [hbm:s3], $0xF7A  }
0x26: {  	[smem:$0x3FA0] =	sst s1;
	(tag) =	ssettag s2;
	_ =	strace s9  }
0x27: {  	s1 =	sld [smem:$0x3FB0]  }
0x28: {  	s2 =	sld [smem:$0x3FB1]  }
0x29: {  	s4 =	sld [smem:$0x3FB3]  }
0x2a: {  	p0 =	seq.s32 s5, $0x0;
	s5 =	sld [smem:$0x3FB4]  }
0x2b: {  	s6 =	sld [smem:$0x3FB5]  }
0x2c: {  	s7 =	sld [smem:$0x3FB6]  }
0x2d: {  	s3 =	simm.s32 $0x108;
	s8 =	sld [smem:$0x3FB7]  }
0x2e: {  	s3 =	simm.s32 @!p0 $0x1082;
	s9 =	sld [smem:$0x3FB8]  }
0x2f: {  	lr =	sadd.s32 s0, s3;
	s0 =	sld [smem:$0x3FAF]  }
0x30: {  	s3 =	sld [smem:$0x3FB2]  }
0x31: {  	[smem:$0x3FBB] =	sst s10  }
0x32: {  	s10 =	sld [smem:$0x3FB9];
	_ =	sdelay $0x3  }
0x33: {  	p0 =	seq.s32 s10, $0x1;
	s10 =	sld [smem:$0x3FBB];
	_ =	sdelay $0x3  }
0x34: {  	[smem:$0x3FBB] =	sst s10  }
0x35: {  	s10 =	sld [smem:$0x3FBA];
	_ =	sdelay $0x3  }
0x36: {  	p1 =	seq.s32 s10, $0x1;
	s10 =	sld [smem:$0x3FBB];
	_ =	sdelay $0x3  }
0x37: {  	[smem:$0x3FBB] =	sst s10  }
0x38: {  	s10 =	sld [smem:$0x3FBC]  }
0x39: {  	_ = 	snop;
	(pc) =	sbr.ind lr, $3  }
0x3a: {  	_ = 	snop  }
0x3b: {  	_ = 	snop  }
0x3c: {  	p2 =	seq.s32 s10, $0x1;
	s10 =	sld [smem:$0x3FBB]  }
0x3d: {  	_ =	shalt  }
0x3e: {  	_ =	shalt  }
0x3f: {  	_ =	shalt  }
0x40: {  	_ =	shalt  }
0x41: {  	_ =	shalt  }
0x42: {  	_ =	shalt  }
0x43: {  	_ =	shalt  }
0x44: {  	_ =	shalt  }
0x45: {  	_ =	shalt  }
0x46: {  	_ =	shalt  }
0x47: {  	_ =	shalt  }
0x48: {  	_ =	shalt  }
0x49: {  	_ =	shalt  }
0x4a: {  	_ =	shalt  }
0x4b: {  	_ =	shalt  }
0x4c: {  	_ =	shalt  }
0x4d: {  	_ =	shalt  }
0x4e: {  	_ =	shalt  }
0x4f: {  	_ =	shalt  }
0x50: {  	_ =	shalt  }
0x51: {  	_ =	shalt  }
0x52: {  	_ =	shalt  }
0x53: {  	_ =	shalt  }
0x54: {  	_ =	shalt  }
0x55: {  	_ =	shalt  }
0x56: {  	_ =	shalt  }
0x57: {  	_ =	shalt  }
0x58: {  	_ =	shalt  }
0x59: {  	_ =	shalt  }
0x5a: {  	_ =	shalt  }
0x5b: {  	_ =	shalt  }
0x5c: {  	_ =	shalt  }
0x5d: {  	_ =	shalt  }
0x5e: {  	_ =	shalt  }
0x5f: {  	_ =	shalt  }
0x60: {  	_ =	shalt  }
0x61: {  	_ =	shalt  }
0x62: {  	_ =	shalt  }
0x63: {  	_ =	shalt  }
0x64: {  	_ =	shalt  }
0x65: {  	_ =	shalt  }
0x66: {  	_ =	shalt  }
0x67: {  	_ =	shalt  }
0x68: {  	_ =	shalt  }
0x69: {  	_ =	shalt  }
0x6a: {  	_ =	shalt  }
0x6b: {  	_ =	shalt  }
0x6c: {  	_ =	shalt  }
0x6d: {  	_ =	shalt  }
0x6e: {  	_ =	shalt  }
0x6f: {  	_ =	shalt  }
0x70: {  	_ =	shalt  }
0x71: {  	_ =	shalt  }
0x72: {  	_ =	shalt  }
0x73: {  	_ =	shalt  }
0x74: {  	_ =	shalt  }
0x75: {  	_ =	shalt  }
0x76: {  	_ =	shalt  }
0x77: {  	_ =	shalt  }
0x78: {  	_ =	shalt  }
0x79: {  	_ =	shalt  }
0x7a: {  	_ =	shalt  }
0x7b: {  	_ =	shalt  }
0x7c: {  	_ =	shalt  }
0x7d: {  	_ =	shalt  }
0x7e: {  	_ =	shalt  }
0x7f: {  	_ =	shalt  }
0x80: {  	_ =	shalt  }
0x81: {  	_ =	shalt  }
0x82: {  	_ =	shalt  }
0x83: {  	_ =	shalt  }
0x84: {  	_ =	shalt  }
0x85: {  	_ =	shalt  }
0x86: {  	_ =	shalt  }
0x87: {  	_ =	shalt  }
.Lfunc_end0:
.L_simem_size_0:
called_computation_lowered:
.L_overlay_start_0:
0x88: {  	s2 =	sld [smem:$0x3FD9]  }
0x89: {  	s3 =	sld [smem:$0x3FFE];
	_ =	sdelay $0x1  }
0x8a: {  	s1 =	srdreg.scid  }
0x8b: {  	s0 =	sand.u32 $0x1, s1  }
0x8c: {  	s18 =	sshll.u32 s0, $0xA;
	s2 =	sadd.s32 s3, s2  }
0x8d: {  	s2 =	sadd.s32 s2, s18  }
0x8e: {  	[smem:$0x3FC7] =	sst s2  }
0x8f: {  	_ = 	snop  }
0x90: {  	s2 =	sld [smem:$0x3FC9]  }
0x91: {  	s19 =	sld [smem:$0x3FD0];
	(tm) =	ssettm $0x1  }
0x92: {  	s4 =	sld [smem:$0x3FFB];
	_ =	sdelay $0x3  }
0x93: {  	_ =	strace s4  }
0x94: {  	s4 =	sld [smem:$0x3FFC];
	_ =	sdelay $0x3  }
0x95: {  	_ =	strace s4  }
0x96: {  	s4 =	sld [smem:$0x3FFD];
	_ =	sdelay $0x3  }
0x97: {  	_ =	strace s4  }
0x98: {  	_ =	strace $0x8FFFFFFF  }
0x99: {  	s20 =	sld [smem:$0x3FDB];
	_ =	sdelay $0x1  }
0x9a: {  	s5 =	simm.s32 $_scs_section_size  }
0x9b: {  	s6 =	simm.s32 $_size__tile_overlayer_lowered;
	s7 =	simm.s32 $_tile_overlayer_lowered  }
0x9c: {  	s23 =	simm.s32 $0x1BFF;
	s22 =	sshll.u32 s7, $0x1;
	s4 =	sadd.s32 s5, s20  }
0x9d: {  	s8 =	simm.s32 $0x0;
	s21 =	sshll.u32 s6, $0x1;
	s6 =	sadd.s32 s22, s4  }
0x9e: {  	[timem:s8], [sflag:s23] =	dma.local [hbm:s6], s21  }
0x9f: {  	_ =	swait.ge [sflag:s23], s21  }
0xa0: {  	s5 =	ssub.s32 $0x0, s21;
	[sflag:s23] =	ssyncset.done $0x0  }
0xa1: {  	[sflag:s23] =	ssyncadd.s32 s5;
	_ =	sdelay $0x1  }
0xa2: {  	s24 =	simm.s32 $0x1B8B  }
0xa3: {  	_ =	swait.ge [sflag:s24], $0x1  }
0xa4: {  	[sflag:s24] =	ssyncset.done $0x0  }
0xa5: {  	s25 =	simm.s32 $0x1B8E;
	[sflag:s24] =	ssyncadd.s32 $0xFFFFFFFF  }
0xa6: {  	s26 =	simm.s32 $execute0_lowered;
	[smem:$0x3FD2] =	sst s25  }
0xa7: {  	s5 =	sshll.u32 s26, $0x1;
	_ =	strace $0x80000046;
	[dreg:$0x1] =	wrdreg $0xFFFFFFFF  }
0xa8: {  	s28 =	simm.s32 $_size_execute0_lowered;
	s4 =	sadd.s32 s4, s5;
	[dreg:$0x0] =	wrdreg $0x0  }
0xa9: {  	s5 =	sshll.u32 s28, $0x1;
	[dreg:$0x2] =	wrdreg s4  }
0xaa: {  	[dreg:$0x3] =	wrdreg s5  }
0xab: {  	[dreg:$0x4] =	wrdreg $0xC0  }
0xac: {  	_ =	task [dreg:s8], $0x5FFFF  }
0xad: {  	[dreg:$0x1] =	wrdreg $0xFFFFFFFF  }
0xae: {  	[dreg:$0x0] =	wrdreg $0x60  }
0xaf: {  	[dreg:$0x2] =	wrdreg s2  }
0xb0: {  	[dreg:$0x3] =	wrdreg s19  }
0xb1: {  	[dreg:$0x4] =	wrdreg $0x9  }
0xb2: {  	_ =	task.clear_ibuf [dreg:s8], $0x5FFFF;
	_ =	strace $0x90000046  }
0xb3: {  	s29 =	simm.s32 $0x9;
	_ =	strace $0x8000004F  }
0xb4: {  	_ =	swait.ge [sflag:s29], $0x1  }
0xb5: {  	[sflag:s29] =	ssyncadd.s32 $0xFFFFFFFF  }
0xb6: {  	_ =	strace $0x9000004F  }
0xb7: {  	_ =	sfence  }
0xb8: {  	s30 =	sld [smem:$0x0];
	_ =	sdelay $0x2  }
0xb9: {  	s31 =	sshll.u32 s1, $0xD;
	s1 =	sshrl.u32 s1, $0x2  }
0xba: {  	s3 =	sand.u32 $0x4000, s31;
	s1 =	sadd.s32 s1, s30  }
0xbb: {  	s0 =	sor.u32 s3, s0;
	s1 =	sshll.u32 s1, $0x11  }
0xbc: {  	s0 =	sor.u32 s1, s0  }
0xbd: {  	s0 =	sadd.s32 $0x8F2B, s0  }
0xbe: {  	[sflag:s0] =	ssyncadd.remote.s32 $0x1  }
0xbf: {  	_ =	sfence.sel $0xFFFF  }
0xc0: {  	[dreg:$0x0] =	wrdreg $0xFFFFFFFF;
	(pc) =	sbr.abs _section_cstart, $3  }
0xc1: {  	[dreg:$0x1] =	wrdreg $0xFFFFFFFF  }
0xc2: {  	_ =	task.clear_ibuf [dreg:s8], $0x2FFFF;
	_ =	strace $0x9FFFFFFF  }
0xc3: {  	(tm) =	ssettm $0x7FFFFFFF  }
tec
execute0_lowered:
.L_overlay_start_1:
0x0: {  	(tag) =	ssettag $0x1  }
0x1: {  	s0 =	srdreg.scid  }
0x2: {  	s6 =	sand.u32 $0x1, s0  }
0x3: {  	s0 =	stileid.u32;
	s1 =	sshll.u32 s6, $0x4  }
0x4: {  	s2 =	rddreg [dreg:$0x0];
	s1 =	sor.u32 s0, s1  }
0x5: {  	s3 =	rddreg [dreg:$0x1];
	s5 =	simm.s32 $0x0;
	s4 =	smul.u32 $0x7, s1  }
0x6: {  	s10 =	simm.s32 $0x0;
	[smem:$0x7FF] =	sst s5  }
0x7: {  	p0 =	slt.u32 s1, $0x1A;
	s7 =	sshll.u32 s1, $0x3;
	s4 =	sadd.s32 $0x1A, s4  }
0x8: {  	s31 =	ssub.s32 $0x2, s6;
	s6 =	simm.s32 $0x8;
	s4 =	smov.u32 @p0 s7  }
0x9: {  	s9 =	sshrl.u32 s31, $0x1;
	s1 =	rddreg [dreg:$0x2];
	s8 =	smul.u32 $0x280, s4  }
0xa: {  	_ =	strace $0x80000047;
	s9 =	ssub.s32 s31, s9;
	s6 =	simm.s32 @!p0 $0x7  }
0xb: {  	s9 =	smax.u32 s9, $0x1;
	s7 =	sadd.s32 s2, s8;
	s8 =	sadd.s32 $0xFFFFFFFF, s6  }
.LBB2_1:
0xc: {  	_ =	strace $0x80000048;
	s12 =	simm.s32 $0x0  }
0xd: {  	s11 =	simm.s32 $0x0;
	s13 =	simm.s32 $0x0;
	s14 =	simm.s32 $0x0  }
0xe: {  	[tilespmem:s5], [sflag:$0x1] =	stream.linear.gather [hbm4b:s7+s5], $0x1400, $0x200038;
	[tilespmem:$0x5000] =	vst v63  }
0xf: {  	s15 =	simm.s32 $0x1;
	s16 =	simm.s32 $0x0;
	_ =	strace $0x90000048  }
.LBB2_2:
0x10: {  	s18 =	smov.u32 s12;
	s12 =	sadd.s32 $0x1, s12  }
0x11: {  	p0 =	seq.s32 s12, s6  }
0x12: {  	s12 =	simm.s32 @p0 $0x0  }
0x13: {  	p6 =	slt.s32 s16, s8;
	p1 =	sne.s32 s18, s12  }
0x14: {  	p0 =	por !p6, !p1  }
0x15: {  	p0 =	por !p0, !p0  }
0x16: {  	s17 =	sadd.s32 @p0 s4, s12  }
0x17: {  	s19 =	sand.u32 @p0 $0x1, s15;
	s17 =	smul.u32 @p0 $0x1400, s17  }
0x18: {  	s29 =	sand.u32 $0x1, s14;
	s20 =	smul.u32 @p0 $0x5000, s19  }
0x19: {  	_ =	strace @p0 $0x80000049;
	s21 =	simm.s32 @p0 $0x0;
	s17 =	sshrl.u32 @p0 s17, $0x3  }
0x1a: {  	s19 =	sadd.s32 @p0 $0x1, s19;
	s20 =	sshrl.u32 @p0 s20, $0x2;
	s17 =	sadd.s32 @p0 s2, s17  }
0x1b: {  	[tilespmem:s20], [sflag:s19] =	stream.linear.gather @p0 [hbm4b:s17+s21], $0x1400, $0x200038;
	[tilespmem:$0x5000] =	vst v63  }
0x1c: {  	p2 =	seq.s32 s29, $0x1;
	s19 =	simm.s32 $0x1440;
	_ =	strace @p0 $0x90000049  }
0x1d: {  	s17 =	sadd.s32 $0x1, s29;
	s19 =	simm.s32 @!p2 $0x40;
	_ =	strace $0x8000004A  }
0x1e: {  	v0 =	vmov s19;
	_ =	swait.ge [sflag:s17], $0x1400  }
0x1f: {  	[sflag:s17] =	ssyncset.done $0x0  }
0x20: {  	[sflag:s17] =	ssyncadd.s32 $0xFFFFEC00;
	s17 =	sand.u32 $0x1, s13  }
0x21: {  	_ =	strace $0x9000004A;
	s30 =	smul.u32 $0x5000, s17  }
0x22: {  	s20 =	simm.s32 $0x0;
	_ =	strace $0x8000004B  }
0x23: {  	s31 =	sshrl.u32 s30, $0x2;
	v2 =	vld.idx.msk [tilespmem:v0+s20+$0xFFFFFFC0 ss:$0x1], $0xffff  }
0x24: {  	s19 =	sadd.s32 $0x2870, s31  }
0x25: {  	v1 =	vmov s19;
	_ =	sdelay $0x2  }
0x26: {  	v2 =	vadd.f32 v2, v2;
	_ =	sdelay $0x1  }
0x27: {  	[tilespmem:v1+s20+$0xFFFFFF90 ss:$0x1] =	vst.idx.msk $0xffff, v2  }
0x28: {  	v2 =	vld.idx.msk [tilespmem:v0+s20+$0xFFFFFFD0 ss:$0x1], $0xffff;
	_ =	sdelay $0x4  }
0x29: {  	v2 =	vadd.f32 v2, v2;
	_ =	sdelay $0x1  }
0x2a: {  	[tilespmem:v1+s20+$0xFFFFFFA0 ss:$0x1] =	vst.idx.msk $0xffff, v2  }
0x2b: {  	v2 =	vld.idx.msk [tilespmem:v0+s20+$0xFFFFFFE0 ss:$0x1], $0xffff;
	_ =	sdelay $0x4  }
0x2c: {  	v2 =	vadd.f32 v2, v2;
	_ =	sdelay $0x1  }
0x2d: {  	[tilespmem:v1+s20+$0xFFFFFFB0 ss:$0x1] =	vst.idx.msk $0xffff, v2  }
0x2e: {  	v2 =	vld.idx.msk [tilespmem:v0+s20+$0xFFFFFFF0 ss:$0x1], $0xffff;
	_ =	sdelay $0x4  }
0x2f: {  	v2 =	vadd.f32 v2, v2;
	_ =	sdelay $0x1  }
0x30: {  	[tilespmem:v1+s20+$0xFFFFFFC0 ss:$0x1] =	vst.idx.msk $0xffff, v2  }
0x31: {  	v2 =	vld.idx.msk [tilespmem:v0+s20+$0x0 ss:$0x1], $0xffff;
	_ =	sdelay $0x4  }
0x32: {  	v2 =	vadd.f32 v2, v2;
	_ =	sdelay $0x1  }
0x33: {  	[tilespmem:v1+s20+$0xFFFFFFD0 ss:$0x1] =	vst.idx.msk $0xffff, v2  }
0x34: {  	v2 =	vld.idx.msk [tilespmem:v0+s20+$0x10 ss:$0x1], $0xffff;
	_ =	sdelay $0x4  }
0x35: {  	v2 =	vadd.f32 v2, v2;
	_ =	sdelay $0x1  }
0x36: {  	[tilespmem:v1+s20+$0xFFFFFFE0 ss:$0x1] =	vst.idx.msk $0xffff, v2  }
0x37: {  	v2 =	vld.idx.msk [tilespmem:v0+s20+$0x20 ss:$0x1], $0xffff;
	_ =	sdelay $0x4  }
0x38: {  	v2 =	vadd.f32 v2, v2;
	_ =	sdelay $0x1  }
0x39: {  	[tilespmem:v1+s20+$0xFFFFFFF0 ss:$0x1] =	vst.idx.msk $0xffff, v2  }
0x3a: {  	v2 =	vld.idx.msk [tilespmem:v0+s20+$0x30 ss:$0x1], $0xffff;
	_ =	sdelay $0x3  }
0x3b: {  	s22 =	simm.s32 $0x400  }
0x3c: {  	s21 =	simm.s32 $0x200;
	s19 =	sadd.s32 s4, s18;
	s18 =	sadd.s32 $0x2800, s31;
	v2 =	vadd.f32 v2, v2  }
.LBB2_3:
0x3d: {  	p2 =	sne.s32 s22, $0x4E00  }
0x3e: {  	[tilespmem:v1+s20+$0x0 ss:$0x1] =	vst.idx.msk $0xffff, v2;
	s20 =	sshra.s32 s21, $0x2;
	s21 =	smov.u32 s22;
	s22 =	sadd.s32 $0x200, s22  }
0x3f: {  	v2 =	vld.idx.msk [tilespmem:v0+s20+$0xFFFFFFC0 ss:$0x1], $0xffff;
	_ =	sdelay $0x5  }
0x40: {  	v2 =	vadd.f32 v2, v2;
	_ =	sdelay $0x1  }
0x41: {  	[tilespmem:v1+s20+$0xFFFFFF90 ss:$0x1] =	vst.idx.msk $0xffff, v2  }
0x42: {  	v2 =	vld.idx.msk [tilespmem:v0+s20+$0xFFFFFFD0 ss:$0x1], $0xffff;
	_ =	sdelay $0x5  }
0x43: {  	v2 =	vadd.f32 v2, v2;
	_ =	sdelay $0x1  }
0x44: {  	[tilespmem:v1+s20+$0xFFFFFFA0 ss:$0x1] =	vst.idx.msk $0xffff, v2  }
0x45: {  	v2 =	vld.idx.msk [tilespmem:v0+s20+$0xFFFFFFE0 ss:$0x1], $0xffff;
	_ =	sdelay $0x5  }
0x46: {  	v2 =	vadd.f32 v2, v2;
	_ =	sdelay $0x1  }
0x47: {  	[tilespmem:v1+s20+$0xFFFFFFB0 ss:$0x1] =	vst.idx.msk $0xffff, v2  }
0x48: {  	v2 =	vld.idx.msk [tilespmem:v0+s20+$0xFFFFFFF0 ss:$0x1], $0xffff;
	_ =	sdelay $0x5  }
0x49: {  	v2 =	vadd.f32 v2, v2;
	_ =	sdelay $0x1  }
0x4a: {  	[tilespmem:v1+s20+$0xFFFFFFC0 ss:$0x1] =	vst.idx.msk $0xffff, v2  }
0x4b: {  	v2 =	vld.idx.msk [tilespmem:v0+s20+$0x0 ss:$0x1], $0xffff;
	_ =	sdelay $0x5  }
0x4c: {  	v2 =	vadd.f32 v2, v2;
	_ =	sdelay $0x1  }
0x4d: {  	[tilespmem:v1+s20+$0xFFFFFFD0 ss:$0x1] =	vst.idx.msk $0xffff, v2  }
0x4e: {  	v2 =	vld.idx.msk [tilespmem:v0+s20+$0x10 ss:$0x1], $0xffff;
	_ =	sdelay $0x5  }
0x4f: {  	v2 =	vadd.f32 v2, v2;
	_ =	sdelay $0x1  }
0x50: {  	[tilespmem:v1+s20+$0xFFFFFFE0 ss:$0x1] =	vst.idx.msk $0xffff, v2  }
0x51: {  	v2 =	vld.idx.msk [tilespmem:v0+s20+$0x20 ss:$0x1], $0xffff;
	_ =	sdelay $0x5  }
0x52: {  	v2 =	vadd.f32 v2, v2;
	_ =	sdelay $0x1  }
0x53: {  	[tilespmem:v1+s20+$0xFFFFFFF0 ss:$0x1] =	vst.idx.msk $0xffff, v2  }
0x54: {  	v2 =	vld.idx.msk [tilespmem:v0+s20+$0x30 ss:$0x1], $0xffff;
	_ =	sdelay $0x1  }
.Ltmp0:
0x55: {  	(pc) =	sbr.rel @p2 .LBB2_3-.Ltmp0, $2  }
0x56: {  	_ =	sdelay $0x2  }
0x57: {  	v2 =	vadd.f32 v2, v2  }
0x58: {  	_ =	sdelay $0x3  }
0x59: {  	s21 =	sshra.s32 s21, $0x2;
	[tilespmem:v1+s20+$0x0 ss:$0x1] =	vst.idx.msk $0xffff, v2  }
0x5a: {  	v2 =	vld.idx.msk [tilespmem:v0+s21+$0xFFFFFFC0 ss:$0x1], $0xffff;
	_ =	sdelay $0x4  }
0x5b: {  	v2 =	vadd.f32 v2, v2;
	_ =	sdelay $0x1  }
0x5c: {  	[tilespmem:v1+s21+$0xFFFFFF90 ss:$0x1] =	vst.idx.msk $0xffff, v2  }
0x5d: {  	v2 =	vld.idx.msk [tilespmem:v0+s21+$0xFFFFFFD0 ss:$0x1], $0xffff;
	_ =	sdelay $0x4  }
0x5e: {  	v2 =	vadd.f32 v2, v2;
	_ =	sdelay $0x1  }
0x5f: {  	[tilespmem:v1+s21+$0xFFFFFFA0 ss:$0x1] =	vst.idx.msk $0xffff, v2  }
0x60: {  	v2 =	vld.idx.msk [tilespmem:v0+s21+$0xFFFFFFE0 ss:$0x1], $0xffff;
	_ =	sdelay $0x4  }
0x61: {  	v2 =	vadd.f32 v2, v2;
	_ =	sdelay $0x1  }
0x62: {  	[tilespmem:v1+s21+$0xFFFFFFB0 ss:$0x1] =	vst.idx.msk $0xffff, v2  }
0x63: {  	v2 =	vld.idx.msk [tilespmem:v0+s21+$0xFFFFFFF0 ss:$0x1], $0xffff;
	_ =	sdelay $0x4  }
0x64: {  	v2 =	vadd.f32 v2, v2;
	_ =	sdelay $0x1  }
0x65: {  	[tilespmem:v1+s21+$0xFFFFFFC0 ss:$0x1] =	vst.idx.msk $0xffff, v2  }
0x66: {  	v2 =	vld.idx.msk [tilespmem:v0+s21+$0x0 ss:$0x1], $0xffff;
	_ =	sdelay $0x4  }
0x67: {  	v2 =	vadd.f32 v2, v2;
	_ =	sdelay $0x1  }
0x68: {  	[tilespmem:v1+s21+$0xFFFFFFD0 ss:$0x1] =	vst.idx.msk $0xffff, v2  }
0x69: {  	v2 =	vld.idx.msk [tilespmem:v0+s21+$0x10 ss:$0x1], $0xffff;
	_ =	sdelay $0x4  }
0x6a: {  	v2 =	vadd.f32 v2, v2;
	_ =	sdelay $0x1  }
0x6b: {  	[tilespmem:v1+s21+$0xFFFFFFE0 ss:$0x1] =	vst.idx.msk $0xffff, v2  }
0x6c: {  	v2 =	vld.idx.msk [tilespmem:v0+s21+$0x20 ss:$0x1], $0xffff;
	_ =	sdelay $0x4  }
0x6d: {  	v2 =	vadd.f32 v2, v2;
	_ =	sdelay $0x1  }
0x6e: {  	[tilespmem:v1+s21+$0xFFFFFFF0 ss:$0x1] =	vst.idx.msk $0xffff, v2  }
0x6f: {  	v63 =	vld.idx.msk [tilespmem:v0+s21+$0x30 ss:$0x1], $0xffff;
	_ =	sdelay $0x3  }
0x70: {  	p2 =	seq.s32 s16, s8  }
0x71: {  	p1 =	por p2, p1;
	v0 =	vadd.f32 v63, v63  }
0x72: {  	s20 =	simm.s32 $0x1;
	s19 =	smul.u32 @p1 $0x1400, s19  }
0x73: {  	s20 =	simm.s32 @!p0 $0x0;
	s17 =	sadd.s32 @p1 $0x3, s17;
	[tilespmem:v1+s21+$0x0 ss:$0x1] =	vst.idx.msk $0xffff, v0  }
0x74: {  	p0 =	seq.s32 s16, $0x0;
	s19 =	sshrl.u32 @p1 s19, $0x3;
	_ =	strace $0x9000004B  }
0x75: {  	s19 =	sadd.s32 @p1 s3, s19;
	s21 =	simm.s32 @p1 $0x0;
	_ =	strace @p1 $0x8000004C  }
0x76: {  	[hbm4b:s19+s21] =	stream.linear.scatter @p1 [tilespmem:s18], [sflag:s17], $0x1400, $0x200038;
	[tilespmem:$0x5000] =	vst v63  }
0x77: {  	s17 =	simm.s32 $0x1;
	s19 =	simm.s32 $0x1;
	_ =	strace @p1 $0x9000004C  }
0x78: {  	s17 =	simm.s32 @!p1 $0x0;
	p1 =	sne.s32 s16, $0x0;
	s16 =	sadd.s32 $0x1, s16  }
0x79: {  	s18 =	sand.u32 @!p0 $0x1, s11;
	s19 =	simm.s32 @!p1 $0x0;
	p1 =	sne.s32 s16, s6  }
.Ltmp1:
0x7a: {  	s18 =	sadd.s32 @!p0 $0x3, s18;
	_ =	strace @!p0 $0x8000004D;
	(pc) =	sbr.rel @p1 .LBB2_2-.Ltmp1, $4  }
0x7b: {  	_ =	swait.ge @!p0 [sflag:s18], $0x1400  }
0x7c: {  	[sflag:s18] =	ssyncset.done @!p0 $0x0  }
0x7d: {  	s15 =	sadd.s32 s20, s15;
	s13 =	sadd.s32 s17, s13;
	[sflag:s18] =	ssyncadd.s32 @!p0 $0xFFFFEC00  }
0x7e: {  	s14 =	sadd.s32 s17, s14;
	s11 =	sadd.s32 s19, s11;
	_ =	strace @!p0 $0x9000004D  }
0x7f: {  	s10 =	sadd.s32 $0x1, s10  }
0x80: {  	s11 =	sand.u32 $0x1, s11;
	p0 =	sne.s32 s10, s9  }
.Ltmp2:
0x81: {  	_ =	strace $0x8000004E;
	s11 =	sadd.s32 $0x3, s11;
	(pc) =	sbr.rel @p0 .LBB2_1-.Ltmp2, $4  }
0x82: {  	_ =	swait.ge [sflag:s11], $0x1400  }
0x83: {  	[sflag:s11] =	ssyncset.done $0x0  }
0x84: {  	[sflag:s11] =	ssyncadd.s32 $0xFFFFEC00  }
0x85: {  	_ =	strace $0x9000004E  }
0x86: {  	_ =	sfence.sel $0x180000  }
0x87: {  	[bflag:$0x0] =	sbarrier.arrive $0xFFFF  }
0x88: {  	p0 =	sne.s32 s0, $0x0;
	_ =	strace $0x90000047  }
0x89: {  	s0 =	sadd.s32 @!p0 $0x100000, s1;
	[bflag:$0x2] =	sbarrier.arrive $0xFFFF  }
0x8a: {  	[sflag:s0] =	ssyncadd.tile.s32 @!p0 $0x1;
	_ =	shalt  }
.Lfunc_end2:
_tile_overlayer_lowered:
.L_overlay_start_2:
0x8b: {  	(tag) =	ssettag $0x2  }
0x8c: {  	s0 =	rddreg [dreg:$0x0];
	s2 =	stileid.u32  }
0x8d: {  	s1 =	rddreg [dreg:$0x1];
	p0 =	sne.s32 s2, $0x0  }
0x8e: {  	s3 =	rddreg [dreg:$0x2];
	[bflag:$0x3] =	sbarrier.arrive $0xFFFF;
	s2 =	simm.s32 @!p0 $0x1C01  }
0x8f: {  	[timem:s3], [sflag:s2] =	dma.local @!p0 [hbm:s0], s1  }
0x90: {  	s0 =	simm.s32 @!p0 $0x1  }
0x91: {  	_ =	swait.ge @!p0 [sflag:s0], s1  }
0x92: {  	s1 =	ssub.s32 @!p0 $0x0, s1;
	[sflag:s0] =	ssyncset.done @!p0 $0x0  }
0x93: {  	[sflag:s0] =	ssyncadd.s32 @!p0 s1  }
0x94: {  	[bflag:$0x3] =	sbarrier.arrive $0xFFFF  }
0x95: {  	_ =	shalt  }

</sc_bundles>
